<compile_context>
chip_gen: v7x
topology: tpu7x:2x2x1
jax: 0.10.2.dev20260603
libtpu: 0.0.44.dev20260713+nightly
codegen_flags: <defaults>
</compile_context>

<pallas_src>
import functools

import jax
import jax.numpy as jnp
from jax import lax
from jax.experimental import pallas as pl
from jax.experimental.pallas import tpu as pltpu
from jax.experimental.pallas import tpu_sc as plsc

BS = 16
N = 196608
HALF = N // 2
NV = HALF // 16
NBIN = 2048
ONE_F32_BITS = 0x3F800000
IMAX = 0x7FFFFFFF


def _mono(b):
    return b ^ ((b >> 31) & IMAX)


def _zero_hist(hist_v):
    @plsc.parallel_loop(0, NBIN // 16, unroll=8)
    def _(i):
        hist_v[pl.ds(i * 16, 16)] = jnp.zeros((16,), jnp.int32)


def _hist_scan(hist_v, phist_v, below, target, extras=False):
    def body(i, carry):
        run, jstar, bsel, found, nb = carry
        h = hist_v[pl.ds(i * 16, 16)] + phist_v[pl.ds(i * 16, 16)]
        c = plsc.cumsum(h)
        tot = c[15]
        m = (below + run + c) < target
        nm = plsc.all_reduce_population_count(m)[0]
        cross = (below + run + tot) >= target
        first = jnp.logical_and(cross, found == 0)
        bsel = jnp.where(first, run, bsel)
        found = jnp.where(cross, 1, found)
        if extras:
            idxv = i * 16 + lax.iota(jnp.int32, 16)
            past = jnp.logical_and((below + run + (c - h)) >= target, h > 0)
            cand = jnp.where(past, idxv, IMAX)
            nb = jnp.minimum(nb, -plsc.cummax(-cand)[15])
        return run + tot, jstar + nm, bsel, found, nb

    _, jstar, bsel, _, nb = lax.fori_loop(
        0, NBIN // 16, body,
        (jnp.int32(0), jnp.int32(0), jnp.int32(0), jnp.int32(0),
         jnp.int32(IMAX)))
    ci = jstar >> 4
    lane = jstar & 15
    h = hist_v[pl.ds(ci * 16, 16)] + phist_v[pl.ds(ci * 16, 16)]
    lanes = lax.iota(jnp.int32, 16)
    hm = jnp.where(lanes < lane, h, 0)
    less_in = plsc.cumsum(hm)[15]
    if extras:
        hsel = plsc.cumsum(jnp.where(lanes == lane, h, 0))[15]
        return jstar, below + bsel + less_in, nb, hsel
    return jstar, below + bsel + less_in


def _combine_hists(hist_v, phist_v, shared, s):
    pltpu.sync_copy(hist_v, shared.at[s])
    plsc.subcore_barrier()
    pltpu.sync_copy(shared.at[s ^ 1], phist_v)
    plsc.subcore_barrier()


def _sc_body(x_hbm, pi_hbm, pf_hbm, out_hbm,
             data_v, hist_v, phist_v, pi_v, pf_v, xch_v, shared):
    c = lax.axis_index("c")
    s = lax.axis_index("s")
    wid = c * 16 + s
    base = wid * HALF

    pltpu.sync_copy(x_hbm.at[pl.ds(base, HALF)], data_v)
    pltpu.sync_copy(pi_hbm, pi_v)
    pltpu.sync_copy(pf_hbm, pf_v)

    piv = pi_v[...]
    pfv = pf_v[...]
    k1 = piv[0]
    zflag = piv[1]
    frac = pfv[0]
    target = k1 + 1

    ones = jnp.ones((16,), jnp.int32)

    _zero_hist(hist_v)

    @plsc.parallel_loop(0, NV, unroll=8)
    def p1(i):
        sl = pl.ds(i * 16, 16)
        b = data_v[sl]
        sv = _mono(b)
        data_v[sl] = sv
        plsc.addupdate_scatter(hist_v, [(sv >> 21) + 1024], ones)
    _combine_hists(hist_v, phist_v, shared, s)
    sel1, below = _hist_scan(hist_v, phist_v, jnp.int32(0), target)
    t11 = sel1 - 1024

    _zero_hist(hist_v)

    @plsc.parallel_loop(0, NV, unroll=8)
    def p2(i):
        sv = data_v[pl.ds(i * 16, 16)]
        m = (sv >> 21) == t11
        plsc.addupdate_scatter(hist_v, [(sv >> 10) & 0x7FF], ones, mask=m)
    _combine_hists(hist_v, phist_v, shared, s)
    sel2, below = _hist_scan(hist_v, phist_v, below, target)
    p21 = (t11 << 11) | sel2

    _zero_hist(hist_v)

    @plsc.parallel_loop(0, NV, unroll=8,
                        carry=(jnp.full((16,), IMAX, jnp.int32),))
    def p3(i, carry):
        (mn2_v,) = carry
        sv = data_v[pl.ds(i * 16, 16)]
        m = (sv >> 10) == p21
        plsc.addupdate_scatter(hist_v, [sv & 0x3FF], ones, mask=m)
        mn2_v = jnp.where((sv >> 10) > p21, jnp.minimum(mn2_v, sv), mn2_v)
        return (mn2_v,)

    (mn2_v,) = p3
    mn2 = -plsc.cummax(-mn2_v)[15]
    _combine_hists(hist_v, phist_v, shared, s)
    sel3, below3, nb3, hsel3 = _hist_scan(
        hist_v, phist_v, below, target, extras=True)
    v1 = (p21 << 10) | sel3

    lanes = lax.iota(jnp.int32, 16)
    xch_v[...] = jnp.where(lanes == 0, mn2, IMAX)
    pltpu.sync_copy(xch_v, shared.at[s, pl.ds(0, 16)])
    plsc.subcore_barrier()
    pltpu.sync_copy(shared.at[s ^ 1, pl.ds(0, 16)], xch_v)
    plsc.subcore_barrier()
    mn2_t = jnp.minimum(mn2, xch_v[...][0])

    cnt_t = below3 + hsel3
    v2_in = (p21 << 10) | nb3
    v2 = jnp.where(cnt_t >= k1 + 2, v1,
                   jnp.where(nb3 != IMAX, v2_in, mn2_t))

    f1 = lax.bitcast_convert_type(_mono(v1), jnp.float32)
    f2 = lax.bitcast_convert_type(_mono(v2), jnp.float32)
    q = f1 * (1.0 - frac) + f2 * frac
    sq = _mono(lax.bitcast_convert_type(q, jnp.int32))
    sq = jnp.where(zflag != 0, jnp.int32(IMAX), sq)

    one_bits = jnp.full((16,), ONE_F32_BITS, jnp.int32)
    zero_bits = jnp.zeros((16,), jnp.int32)

    @plsc.parallel_loop(0, NV, unroll=8)
    def p5(i):
        sl = pl.ds(i * 16, 16)
        sv = data_v[sl]
        data_v[sl] = jnp.where(sv >= sq, one_bits, zero_bits)
    pltpu.sync_copy(data_v, out_hbm.at[pl.ds(base, HALF)])


_sc_call = functools.partial(
    pl.kernel,
    out_type=jax.ShapeDtypeStruct((BS * N,), jnp.int32),
    mesh=plsc.VectorSubcoreMesh(core_axis_name="c", subcore_axis_name="s"),
    compiler_params=pltpu.CompilerParams(needs_layout_passes=False),
    scratch_types=[
        pltpu.VMEM((HALF,), jnp.int32),
        pltpu.VMEM((NBIN,), jnp.int32),
        pltpu.VMEM((NBIN,), jnp.int32),
        pltpu.VMEM((16,), jnp.int32),
        pltpu.VMEM((16,), jnp.float32),
        pltpu.VMEM((16,), jnp.int32),
        pltpu.VMEM_SHARED((16, NBIN), jnp.int32),
    ],
)(_sc_body)


def kernel(scale, pr):
    bs, ch, w, h = scale.shape
    n = ch * w * h
    p = jnp.where(pr > 10, 10, pr) * 0.1
    pr_bis = (1.0 - p).astype(jnp.float32)
    idxf = pr_bis * (n - 1)
    k1 = jnp.clip(jnp.floor(idxf), 0, n - 1).astype(jnp.int32)
    frac = idxf - k1.astype(jnp.float32)
    z = (pr == 0).astype(jnp.int32)
    pi = jnp.zeros((16,), jnp.int32).at[0].set(k1).at[1].set(z)
    pf = jnp.zeros((16,), jnp.float32).at[0].set(frac)
    xi = lax.bitcast_convert_type(scale, jnp.int32).reshape(bs * n)
    out = _sc_call(xi, pi, pf)
    return lax.bitcast_convert_type(out.reshape(bs, ch, w, h), jnp.float32)

# --- scband reference (transcript-rebuilt; emitter-appended) ---
"""Pipeline reference for scband-channel-mask-77051713290632 (READ-ONLY COPY).

The authoritative reference and input builder live on the scoring server;
editing this copy changes nothing except your own understanding.
"""

import jax, jax.numpy as jnp
import numpy as np


def setup_inputs(seed: int = 0) -> dict:
    key = jax.random.key(seed)
    scale = jax.random.normal(key, (16, 192, 32, 32), dtype=jnp.float32)
    return {"scale": scale, "pr": 5}


def reference(scale, pr):
    # Faithful translation of ChannelMask.forward with cust_map=None,
    # mask_pol='point-based-std' (the default / init mask_policy).
    bs, ch, w, h = scale.shape
    p = jnp.where(pr > 10, 10, pr) * 0.1
    pr_bis = 1.0 - p
    # Per-batch quantile over the flattened [ch*w*h] values (torch.quantile
    # default interpolation is 'linear', matching jnp.quantile default).
    flat = scale.reshape(bs, -1)
    q = jnp.quantile(flat, pr_bis, axis=1, method="linear")  # [bs]
    res = scale >= q[:, None, None, None]
    res = res.astype(jnp.float32).reshape(bs, ch, w, h)
    return jnp.where(
        pr >= 10,
        jnp.ones_like(scale),
        jnp.where(pr == 0, jnp.zeros_like(scale), res),
    )

if __name__ == "__main__":
    import jax
    _d = setup_inputs()
    print(jax.jit(kernel)(*tuple(_d.values())))

</pallas_src>

<mosaic_0001>
#map = affine_map<(d0, d1) -> (0)>
module attributes {stable_mosaic.version = 14 : i64} {
  func.func @_sc_body(%arg0: i32, %arg1: i32, %arg2: memref<3145728xi32, #tpu.memory_space<hbm>>, %arg3: memref<16xi32, #tpu.memory_space<hbm>>, %arg4: memref<16xf32, #tpu.memory_space<hbm>>, %arg5: memref<3145728xi32, #tpu.memory_space<hbm>>, %arg6: memref<98304xi32, #tpu.memory_space<vmem>>, %arg7: memref<2048xi32, #tpu.memory_space<vmem>>, %arg8: memref<2048xi32, #tpu.memory_space<vmem>>, %arg9: memref<16xi32, #tpu.memory_space<vmem>>, %arg10: memref<16xf32, #tpu.memory_space<vmem>>, %arg11: memref<16xi32, #tpu.memory_space<vmem>>, %arg12: memref<16x2048xi32, #tpu.memory_space<vmem_shared>>) attributes {dimension_semantics = [#tpu.dimension_semantics<core_parallel>, #tpu.dimension_semantics<subcore_parallel>], iteration_bounds = array<i64: 2, 16>, scalar_prefetch = 0 : i64, scratch_operands = 7 : i64, tpu.core_type = #tpu.core_type<sc_vector_subcore>, window_params = [{transform_indices = #map}, {transform_indices = #map}, {transform_indices = #map}, {transform_indices = #map}]} {
    %mul3A = arith.constant 16 : i32
    %mul3A_0 = arith.muli %arg0, %mul3A : i32
    %add3A = arith.addi %mul3A_0, %arg1 : i32
    %mul3A_1 = arith.constant 98304 : i32
    %mul3A_2 = arith.muli %add3A, %mul3A_1 : i32
    "tpu.region"() ({
      %run_scoped3A = tpu.sem_alloc : memref<!tpu.dma_semaphore, #tpu.memory_space<semaphore_mem>>
      %dma_start3A = tpu.memref_slice %arg2[%mul3A_2] : memref<3145728xi32, #tpu.memory_space<hbm>> -> memref<98304xi32, #tpu.memory_space<hbm>>
      %dma_start3A_233 = tpu.memref_slice %arg2[%mul3A_2] : memref<3145728xi32, #tpu.memory_space<hbm>> -> memref<98304xi32, #tpu.memory_space<hbm>>
      tpu.enqueue_dma source(%dma_start3A_233 : memref<98304xi32, #tpu.memory_space<hbm>>) target(%arg6 : memref<98304xi32, #tpu.memory_space<vmem>>) target_semaphore(%run_scoped3A : memref<!tpu.dma_semaphore, #tpu.memory_space<semaphore_mem>>)
      %dma_wait3A = tpu.memref_slice %arg2[%mul3A_2] : memref<3145728xi32, #tpu.memory_space<hbm>> -> memref<98304xi32, #tpu.memory_space<hbm>>
      %dma_wait3A_234 = tpu.memref_slice %arg2[%mul3A_2] : memref<3145728xi32, #tpu.memory_space<hbm>> -> memref<98304xi32, #tpu.memory_space<hbm>>
      tpu.wait_dma2 semaphore(%run_scoped3A : memref<!tpu.dma_semaphore, #tpu.memory_space<semaphore_mem>>) src(%dma_wait3A_234 : memref<98304xi32, #tpu.memory_space<hbm>>) dst(%arg6 : memref<98304xi32, #tpu.memory_space<vmem>>)
      tpu.yield
    }) : () -> ()
    "tpu.region"() ({
      %run_scoped3A = tpu.sem_alloc : memref<!tpu.dma_semaphore, #tpu.memory_space<semaphore_mem>>
      tpu.enqueue_dma source(%arg3 : memref<16xi32, #tpu.memory_space<hbm>>) target(%arg9 : memref<16xi32, #tpu.memory_space<vmem>>) target_semaphore(%run_scoped3A : memref<!tpu.dma_semaphore, #tpu.memory_space<semaphore_mem>>)
      tpu.wait_dma2 semaphore(%run_scoped3A : memref<!tpu.dma_semaphore, #tpu.memory_space<semaphore_mem>>) src(%arg3 : memref<16xi32, #tpu.memory_space<hbm>>) dst(%arg9 : memref<16xi32, #tpu.memory_space<vmem>>)
      tpu.yield
    }) : () -> ()
    "tpu.region"() ({
      %run_scoped3A = tpu.sem_alloc : memref<!tpu.dma_semaphore, #tpu.memory_space<semaphore_mem>>
      tpu.enqueue_dma source(%arg4 : memref<16xf32, #tpu.memory_space<hbm>>) target(%arg10 : memref<16xf32, #tpu.memory_space<vmem>>) target_semaphore(%run_scoped3A : memref<!tpu.dma_semaphore, #tpu.memory_space<semaphore_mem>>)
      tpu.wait_dma2 semaphore(%run_scoped3A : memref<!tpu.dma_semaphore, #tpu.memory_space<semaphore_mem>>) src(%arg4 : memref<16xf32, #tpu.memory_space<hbm>>) dst(%arg10 : memref<16xf32, #tpu.memory_space<vmem>>)
      tpu.yield
    }) : () -> ()
    %get3A = arith.constant 0 : index
    %get3A_3 = tpu.vector_load %arg9[%get3A] {strides = array<i32>} : memref<16xi32, #tpu.memory_space<vmem>>, vector<16xi32>,
    %get3A_4 = arith.constant 0 : index
    %get3A_5 = tpu.vector_load %arg10[%get3A_4] {strides = array<i32>} : memref<16xf32, #tpu.memory_space<vmem>>, vector<16xf32>,
    %slice3A = vector.extract_strided_slice %get3A_3 {offsets = [0], sizes = [1], strides = [1]} : vector<16xi32> to vector<1xi32>
    %squeeze3A = vector.extract %slice3A[0] : i32 from vector<1xi32>
    %slice3A_6 = vector.extract_strided_slice %get3A_3 {offsets = [1], sizes = [1], strides = [1]} : vector<16xi32> to vector<1xi32>
    %squeeze3A_7 = vector.extract %slice3A_6[0] : i32 from vector<1xi32>
    %slice3A_8 = vector.extract_strided_slice %get3A_5 {offsets = [0], sizes = [1], strides = [1]} : vector<16xf32> to vector<1xf32>
    %squeeze3A_9 = vector.extract %slice3A_8[0] : f32 from vector<1xf32>
    %add3A_10 = arith.constant 1 : i32
    %add3A_11 = arith.addi %squeeze3A, %add3A_10 : i32
    %broadcast_in_dim3A = arith.constant 1 : i32
    %broadcast_in_dim3A_12 = vector.broadcast %broadcast_in_dim3A : i32 to vector<16xi32>
    %parallel_loop3A = arith.constant 0 : i32
    %parallel_loop3A_13 = arith.constant 128 : i32
    %parallel_loop3A_14 = arith.constant 1 : i32
    scf.for %parallel_loop3A_233 = %parallel_loop3A to %parallel_loop3A_13 step %parallel_loop3A_14  : i32 {
      %parallel_loop3A_234 = arith.constant 0 : i32
      %parallel_loop3A_235 = vector.broadcast %parallel_loop3A_234 : i32 to vector<16xi32>
      %parallel_loop3A_236 = arith.constant 16 : i32
      %parallel_loop3A_237 = arith.muli %parallel_loop3A_233, %parallel_loop3A_236 : i32
      %parallel_loop3A_238 = arith.index_cast %parallel_loop3A_237 : i32 to index
      %parallel_loop3A_239 = tpu.vector_load %arg7[%parallel_loop3A_238] {strides = array<i32>} : memref<2048xi32, #tpu.memory_space<vmem>>, vector<16xi32>,
      tpu.vector_store %arg7[%parallel_loop3A_238], %parallel_loop3A_235 {strides = array<i32>} : memref<2048xi32, #tpu.memory_space<vmem>>, vector<16xi32>,
    } {sc.loop_unroll_factor = 8 : i64, sc.parallel_access}
    %parallel_loop3A_15 = arith.constant 0 : i32
    %parallel_loop3A_16 = arith.constant 6144 : i32
    %parallel_loop3A_17 = arith.constant 1 : i32
    scf.for %parallel_loop3A_233 = %parallel_loop3A_15 to %parallel_loop3A_16 step %parallel_loop3A_17  : i32 {
      %parallel_loop3A_234 = arith.constant 16 : i32
      %parallel_loop3A_235 = arith.muli %parallel_loop3A_233, %parallel_loop3A_234 : i32
      %parallel_loop3A_236 = arith.index_cast %parallel_loop3A_235 : i32 to index
      %parallel_loop3A_237 = tpu.vector_load %arg6[%parallel_loop3A_236] {strides = array<i32>} : memref<98304xi32, #tpu.memory_space<vmem>>, vector<16xi32>,
      %parallel_loop3A_238 = arith.constant 31 : i32
      %parallel_loop3A_239 = vector.broadcast %parallel_loop3A_238 : i32 to vector<16xi32>
      %parallel_loop3A_240 = arith.shrsi %parallel_loop3A_237, %parallel_loop3A_239 : vector<16xi32>
      %parallel_loop3A_241 = arith.constant 2147483647 : i32
      %parallel_loop3A_242 = vector.broadcast %parallel_loop3A_241 : i32 to vector<16xi32>
      %parallel_loop3A_243 = arith.andi %parallel_loop3A_240, %parallel_loop3A_242 : vector<16xi32>
      %parallel_loop3A_244 = arith.xori %parallel_loop3A_237, %parallel_loop3A_243 : vector<16xi32>
      %parallel_loop3A_245 = arith.index_cast %parallel_loop3A_235 : i32 to index
      %parallel_loop3A_246 = tpu.vector_load %arg6[%parallel_loop3A_245] {strides = array<i32>} : memref<98304xi32, #tpu.memory_space<vmem>>, vector<16xi32>,
      tpu.vector_store %arg6[%parallel_loop3A_245], %parallel_loop3A_244 {strides = array<i32>} : memref<98304xi32, #tpu.memory_space<vmem>>, vector<16xi32>,
      %parallel_loop3A_247 = arith.constant 21 : i32
      %parallel_loop3A_248 = vector.broadcast %parallel_loop3A_247 : i32 to vector<16xi32>
      %parallel_loop3A_249 = arith.shrsi %parallel_loop3A_244, %parallel_loop3A_248 : vector<16xi32>
      %parallel_loop3A_250 = arith.constant 1024 : i32
      %parallel_loop3A_251 = vector.broadcast %parallel_loop3A_250 : i32 to vector<16xi32>
      %parallel_loop3A_252 = arith.addi %parallel_loop3A_249, %parallel_loop3A_251 : vector<16xi32>
      tpu.vector_store_idx %arg7[%parallel_loop3A_252], %broadcast_in_dim3A_12 {add = true} : memref<2048xi32, #tpu.memory_space<vmem>>[vector<16xi32>], vector<16xi32>,
    } {sc.loop_unroll_factor = 8 : i64, sc.parallel_access}
    "tpu.region"() ({
      %run_scoped3A = tpu.sem_alloc : memref<!tpu.dma_semaphore, #tpu.memory_space<semaphore_mem>>
      %dma_start3A = arith.constant 0 : i32
      %dma_start3A_233 = tpu.memref_slice %arg12[%arg1, %dma_start3A] : memref<16x2048xi32, #tpu.memory_space<vmem_shared>> -> memref<1x2048xi32, #tpu.memory_space<vmem_shared>>
      %dma_start3A_234 = tpu.memref_squeeze %dma_start3A_233 : memref<1x2048xi32, #tpu.memory_space<vmem_shared>> -> memref<2048xi32, #tpu.memory_space<vmem_shared>>
      %dma_start3A_235 = arith.constant 0 : i32
      %dma_start3A_236 = tpu.memref_slice %arg12[%arg1, %dma_start3A_235] : memref<16x2048xi32, #tpu.memory_space<vmem_shared>> -> memref<1x2048xi32, #tpu.memory_space<vmem_shared>>
      %dma_start3A_237 = tpu.memref_squeeze %dma_start3A_236 : memref<1x2048xi32, #tpu.memory_space<vmem_shared>> -> memref<2048xi32, #tpu.memory_space<vmem_shared>>
      tpu.enqueue_dma source(%arg7 : memref<2048xi32, #tpu.memory_space<vmem>>) target(%dma_start3A_237 : memref<2048xi32, #tpu.memory_space<vmem_shared>>) target_semaphore(%run_scoped3A : memref<!tpu.dma_semaphore, #tpu.memory_space<semaphore_mem>>)
      %dma_wait3A = arith.constant 0 : i32
      %dma_wait3A_238 = tpu.memref_slice %arg12[%arg1, %dma_wait3A] : memref<16x2048xi32, #tpu.memory_space<vmem_shared>> -> memref<1x2048xi32, #tpu.memory_space<vmem_shared>>
      %dma_wait3A_239 = tpu.memref_squeeze %dma_wait3A_238 : memref<1x2048xi32, #tpu.memory_space<vmem_shared>> -> memref<2048xi32, #tpu.memory_space<vmem_shared>>
      %dma_wait3A_240 = arith.constant 0 : i32
      %dma_wait3A_241 = tpu.memref_slice %arg12[%arg1, %dma_wait3A_240] : memref<16x2048xi32, #tpu.memory_space<vmem_shared>> -> memref<1x2048xi32, #tpu.memory_space<vmem_shared>>
      %dma_wait3A_242 = tpu.memref_squeeze %dma_wait3A_241 : memref<1x2048xi32, #tpu.memory_space<vmem_shared>> -> memref<2048xi32, #tpu.memory_space<vmem_shared>>
      tpu.wait_dma2 semaphore(%run_scoped3A : memref<!tpu.dma_semaphore, #tpu.memory_space<semaphore_mem>>) src(%arg7 : memref<2048xi32, #tpu.memory_space<vmem>>) dst(%dma_wait3A_242 : memref<2048xi32, #tpu.memory_space<vmem_shared>>)
      tpu.yield
    }) : () -> ()
    %barrier3A = arith.constant 0 : index
    tpu.barrier barrier_id(%barrier3A)
    %xor3A = arith.constant 1 : i32
    %xor3A_18 = arith.xori %arg1, %xor3A : i32
    "tpu.region"() ({
      %run_scoped3A = tpu.sem_alloc : memref<!tpu.dma_semaphore, #tpu.memory_space<semaphore_mem>>
      %dma_start3A = arith.constant 0 : i32
      %dma_start3A_233 = tpu.memref_slice %arg12[%xor3A_18, %dma_start3A] : memref<16x2048xi32, #tpu.memory_space<vmem_shared>> -> memref<1x2048xi32, #tpu.memory_space<vmem_shared>>
      %dma_start3A_234 = tpu.memref_squeeze %dma_start3A_233 : memref<1x2048xi32, #tpu.memory_space<vmem_shared>> -> memref<2048xi32, #tpu.memory_space<vmem_shared>>
      %dma_start3A_235 = arith.constant 0 : i32
      %dma_start3A_236 = tpu.memref_slice %arg12[%xor3A_18, %dma_start3A_235] : memref<16x2048xi32, #tpu.memory_space<vmem_shared>> -> memref<1x2048xi32, #tpu.memory_space<vmem_shared>>
      %dma_start3A_237 = tpu.memref_squeeze %dma_start3A_236 : memref<1x2048xi32, #tpu.memory_space<vmem_shared>> -> memref<2048xi32, #tpu.memory_space<vmem_shared>>
      tpu.enqueue_dma source(%dma_start3A_237 : memref<2048xi32, #tpu.memory_space<vmem_shared>>) target(%arg8 : memref<2048xi32, #tpu.memory_space<vmem>>) target_semaphore(%run_scoped3A : memref<!tpu.dma_semaphore, #tpu.memory_space<semaphore_mem>>)
      %dma_wait3A = arith.constant 0 : i32
      %dma_wait3A_238 = tpu.memref_slice %arg12[%xor3A_18, %dma_wait3A] : memref<16x2048xi32, #tpu.memory_space<vmem_shared>> -> memref<1x2048xi32, #tpu.memory_space<vmem_shared>>
      %dma_wait3A_239 = tpu.memref_squeeze %dma_wait3A_238 : memref<1x2048xi32, #tpu.memory_space<vmem_shared>> -> memref<2048xi32, #tpu.memory_space<vmem_shared>>
      %dma_wait3A_240 = arith.constant 0 : i32
      %dma_wait3A_241 = tpu.memref_slice %arg12[%xor3A_18, %dma_wait3A_240] : memref<16x2048xi32, #tpu.memory_space<vmem_shared>> -> memref<1x2048xi32, #tpu.memory_space<vmem_shared>>
      %dma_wait3A_242 = tpu.memref_squeeze %dma_wait3A_241 : memref<1x2048xi32, #tpu.memory_space<vmem_shared>> -> memref<2048xi32, #tpu.memory_space<vmem_shared>>
      tpu.wait_dma2 semaphore(%run_scoped3A : memref<!tpu.dma_semaphore, #tpu.memory_space<semaphore_mem>>) src(%dma_wait3A_242 : memref<2048xi32, #tpu.memory_space<vmem_shared>>) dst(%arg8 : memref<2048xi32, #tpu.memory_space<vmem>>)
      tpu.yield
    }) : () -> ()
    %barrier3A_19 = arith.constant 0 : index
    tpu.barrier barrier_id(%barrier3A_19)
    %scan3A = arith.constant 2147483647 : i32
    %scan3A_20 = arith.constant 0 : i32
    %scan3A_21 = arith.constant 0 : i32
    %scan3A_22 = arith.constant 0 : i32
    %scan3A_23 = arith.constant 0 : i32
    %scan3A_24 = arith.constant 0 : i32
    %scan3A_25 = arith.constant 0 : i32
    %scan3A_26 = arith.constant 128 : i32
    %scan3A_27 = arith.addi %scan3A_25, %scan3A_26 : i32
    %scan3A_28 = arith.constant 1 : i32
    %scan3A_29:4 = scf.for %scan3A_233 = %scan3A_25 to %scan3A_27 step %scan3A_28 iter_args(%scan3A_234 = %scan3A_21, %scan3A_235 = %scan3A_22, %scan3A_236 = %scan3A_23, %scan3A_237 = %scan3A_24) -> (i32, i32, i32, i32)  : i32 {
      %mul3A_238 = arith.constant 16 : i32
      %mul3A_239 = arith.muli %scan3A_233, %mul3A_238 : i32
      %get3A_240 = arith.index_cast %mul3A_239 : i32 to index
      %get3A_241 = tpu.vector_load %arg7[%get3A_240] {strides = array<i32>} : memref<2048xi32, #tpu.memory_space<vmem>>, vector<16xi32>,
      %mul3A_242 = arith.constant 16 : i32
      %mul3A_243 = arith.muli %scan3A_233, %mul3A_242 : i32
      %get3A_244 = arith.index_cast %mul3A_243 : i32 to index
      %get3A_245 = tpu.vector_load %arg8[%get3A_244] {strides = array<i32>} : memref<2048xi32, #tpu.memory_space<vmem>>, vector<16xi32>,
      %add3A_246 = arith.addi %get3A_241, %get3A_245 : vector<16xi32>
      %broadcast_in_dim3A_247 = arith.constant true
      %broadcast_in_dim3A_248 = vector.broadcast %broadcast_in_dim3A_247 : i1 to vector<16xi1>
      %masked_cumsum3A_249 = tpu.scan <sum>, %add3A_246 masked %broadcast_in_dim3A_248 : vector<16xi32>, vector<16xi1> -> vector<16xi32>
      %slice3A_250 = vector.extract_strided_slice %masked_cumsum3A_249 {offsets = [15], sizes = [1], strides = [1]} : vector<16xi32> to vector<1xi32>
      %squeeze3A_251 = vector.extract %slice3A_250[0] : i32 from vector<1xi32>
      %add3A_252 = arith.addi %scan3A_20, %scan3A_234 : i32
      %add3A_253 = vector.broadcast %add3A_252 : i32 to vector<16xi32>
      %add3A_254 = arith.addi %add3A_253, %masked_cumsum3A_249 : vector<16xi32>
      %lt3A_255 = vector.broadcast %add3A_11 : i32 to vector<16xi32>
      %lt3A_256 = arith.cmpi slt, %add3A_254, %lt3A_255 : vector<16xi32>
      %all_reduce_population_count3A = tpu.all_reduce %lt3A_256 {dim = 0 : i64, kind = #tpu.reduction_kind<sum>} : vector<16xi1> -> vector<16xi32>
      %slice3A_257 = vector.extract_strided_slice %all_reduce_population_count3A {offsets = [0], sizes = [1], strides = [1]} : vector<16xi32> to vector<1xi32>
      %squeeze3A_258 = vector.extract %slice3A_257[0] : i32 from vector<1xi32>
      %add3A_259 = arith.addi %scan3A_20, %scan3A_234 : i32
      %add3A_260 = arith.addi %add3A_259, %squeeze3A_251 : i32
      %ge3A_261 = arith.cmpi sge, %add3A_260, %add3A_11 : i32
      %eq3A_262 = arith.constant 0 : i32
      %eq3A_263 = arith.cmpi eq, %scan3A_237, %eq3A_262 : i32
      %and3A_264 = arith.andi %ge3A_261, %eq3A_263 : i1
      %select_n3A_265 = arith.select %and3A_264, %scan3A_234, %scan3A_236 : i32
      %jit3A_266 = arith.constant 1 : i32
      %select_n3A_267 = arith.select %ge3A_261, %jit3A_266, %scan3A_237 : i32
      %add3A_268 = arith.addi %scan3A_234, %squeeze3A_251 : i32
      %add3A_269 = arith.addi %scan3A_235, %squeeze3A_258 : i32
      scf.yield %add3A_268, %add3A_269, %select_n3A_265, %select_n3A_267 : i32, i32, i32, i32
    }
    %scan3A_30 = arith.constant 128 : i32
    %shift_right_arithmetic3A = arith.constant 4 : i32
    %shift_right_arithmetic3A_31 = arith.shrsi %scan3A_29#1, %shift_right_arithmetic3A : i32
    %and3A = arith.constant 15 : i32
    %and3A_32 = arith.andi %scan3A_29#1, %and3A : i32
    %mul3A_33 = arith.constant 16 : i32
    %mul3A_34 = arith.muli %shift_right_arithmetic3A_31, %mul3A_33 : i32
    %get3A_35 = arith.index_cast %mul3A_34 : i32 to index
    %get3A_36 = tpu.vector_load %arg7[%get3A_35] {strides = array<i32>} : memref<2048xi32, #tpu.memory_space<vmem>>, vector<16xi32>,
    %mul3A_37 = arith.constant 16 : i32
    %mul3A_38 = arith.muli %shift_right_arithmetic3A_31, %mul3A_37 : i32
    %get3A_39 = arith.index_cast %mul3A_38 : i32 to index
    %get3A_40 = tpu.vector_load %arg8[%get3A_39] {strides = array<i32>} : memref<2048xi32, #tpu.memory_space<vmem>>, vector<16xi32>,
    %add3A_41 = arith.addi %get3A_36, %get3A_40 : vector<16xi32>
    %iota3A = tpu.iota {dimensions = array<i32: 0>} : vector<16xi32>
    %lt3A = vector.broadcast %and3A_32 : i32 to vector<16xi32>
    %lt3A_42 = arith.cmpi slt, %iota3A, %lt3A : vector<16xi32>
    %jit3A = arith.constant 0 : i32
    %broadcast_in_dim3A_43 = vector.broadcast %jit3A : i32 to vector<16xi32>
    %select_n3A = arith.select %lt3A_42, %add3A_41, %broadcast_in_dim3A_43 : vector<16xi1>, vector<16xi32>
    %broadcast_in_dim3A_44 = arith.constant true
    %broadcast_in_dim3A_45 = vector.broadcast %broadcast_in_dim3A_44 : i1 to vector<16xi1>
    %masked_cumsum3A = tpu.scan <sum>, %select_n3A masked %broadcast_in_dim3A_45 : vector<16xi32>, vector<16xi1> -> vector<16xi32>
    %slice3A_46 = vector.extract_strided_slice %masked_cumsum3A {offsets = [15], sizes = [1], strides = [1]} : vector<16xi32> to vector<1xi32>
    %squeeze3A_47 = vector.extract %slice3A_46[0] : i32 from vector<1xi32>
    %add3A_48 = arith.constant 0 : i32
    %add3A_49 = arith.addi %add3A_48, %scan3A_29#2 : i32
    %add3A_50 = arith.addi %add3A_49, %squeeze3A_47 : i32
    %sub3A = arith.constant 1024 : i32
    %sub3A_51 = arith.subi %scan3A_29#1, %sub3A : i32
    %parallel_loop3A_52 = arith.constant 0 : i32
    %parallel_loop3A_53 = arith.constant 128 : i32
    %parallel_loop3A_54 = arith.constant 1 : i32
    scf.for %parallel_loop3A_233 = %parallel_loop3A_52 to %parallel_loop3A_53 step %parallel_loop3A_54  : i32 {
      %parallel_loop3A_234 = arith.constant 0 : i32
      %parallel_loop3A_235 = vector.broadcast %parallel_loop3A_234 : i32 to vector<16xi32>
      %parallel_loop3A_236 = arith.constant 16 : i32
      %parallel_loop3A_237 = arith.muli %parallel_loop3A_233, %parallel_loop3A_236 : i32
      %parallel_loop3A_238 = arith.index_cast %parallel_loop3A_237 : i32 to index
      %parallel_loop3A_239 = tpu.vector_load %arg7[%parallel_loop3A_238] {strides = array<i32>} : memref<2048xi32, #tpu.memory_space<vmem>>, vector<16xi32>,
      tpu.vector_store %arg7[%parallel_loop3A_238], %parallel_loop3A_235 {strides = array<i32>} : memref<2048xi32, #tpu.memory_space<vmem>>, vector<16xi32>,
    } {sc.loop_unroll_factor = 8 : i64, sc.parallel_access}
    %parallel_loop3A_55 = arith.constant 0 : i32
    %parallel_loop3A_56 = arith.constant 6144 : i32
    %parallel_loop3A_57 = arith.constant 1 : i32
    scf.for %parallel_loop3A_233 = %parallel_loop3A_55 to %parallel_loop3A_56 step %parallel_loop3A_57  : i32 {
      %parallel_loop3A_234 = arith.constant 16 : i32
      %parallel_loop3A_235 = arith.muli %parallel_loop3A_233, %parallel_loop3A_234 : i32
      %parallel_loop3A_236 = arith.index_cast %parallel_loop3A_235 : i32 to index
      %parallel_loop3A_237 = tpu.vector_load %arg6[%parallel_loop3A_236] {strides = array<i32>} : memref<98304xi32, #tpu.memory_space<vmem>>, vector<16xi32>,
      %parallel_loop3A_238 = arith.constant 21 : i32
      %parallel_loop3A_239 = vector.broadcast %parallel_loop3A_238 : i32 to vector<16xi32>
      %parallel_loop3A_240 = arith.shrsi %parallel_loop3A_237, %parallel_loop3A_239 : vector<16xi32>
      %parallel_loop3A_241 = vector.broadcast %sub3A_51 : i32 to vector<16xi32>
      %parallel_loop3A_242 = arith.cmpi eq, %parallel_loop3A_240, %parallel_loop3A_241 : vector<16xi32>
      %parallel_loop3A_243 = arith.constant 10 : i32
      %parallel_loop3A_244 = vector.broadcast %parallel_loop3A_243 : i32 to vector<16xi32>
      %parallel_loop3A_245 = arith.shrsi %parallel_loop3A_237, %parallel_loop3A_244 : vector<16xi32>
      %parallel_loop3A_246 = arith.constant 2047 : i32
      %parallel_loop3A_247 = vector.broadcast %parallel_loop3A_246 : i32 to vector<16xi32>
      %parallel_loop3A_248 = arith.andi %parallel_loop3A_245, %parallel_loop3A_247 : vector<16xi32>
      tpu.vector_store_idx %arg7[%parallel_loop3A_248], %broadcast_in_dim3A_12 masked %parallel_loop3A_242 {add = true} : memref<2048xi32, #tpu.memory_space<vmem>>[vector<16xi32>], vector<16xi32>, vector<16xi1>
    } {sc.loop_unroll_factor = 8 : i64, sc.parallel_access}
    "tpu.region"() ({
      %run_scoped3A = tpu.sem_alloc : memref<!tpu.dma_semaphore, #tpu.memory_space<semaphore_mem>>
      %dma_start3A = arith.constant 0 : i32
      %dma_start3A_233 = tpu.memref_slice %arg12[%arg1, %dma_start3A] : memref<16x2048xi32, #tpu.memory_space<vmem_shared>> -> memref<1x2048xi32, #tpu.memory_space<vmem_shared>>
      %dma_start3A_234 = tpu.memref_squeeze %dma_start3A_233 : memref<1x2048xi32, #tpu.memory_space<vmem_shared>> -> memref<2048xi32, #tpu.memory_space<vmem_shared>>
      %dma_start3A_235 = arith.constant 0 : i32
      %dma_start3A_236 = tpu.memref_slice %arg12[%arg1, %dma_start3A_235] : memref<16x2048xi32, #tpu.memory_space<vmem_shared>> -> memref<1x2048xi32, #tpu.memory_space<vmem_shared>>
      %dma_start3A_237 = tpu.memref_squeeze %dma_start3A_236 : memref<1x2048xi32, #tpu.memory_space<vmem_shared>> -> memref<2048xi32, #tpu.memory_space<vmem_shared>>
      tpu.enqueue_dma source(%arg7 : memref<2048xi32, #tpu.memory_space<vmem>>) target(%dma_start3A_237 : memref<2048xi32, #tpu.memory_space<vmem_shared>>) target_semaphore(%run_scoped3A : memref<!tpu.dma_semaphore, #tpu.memory_space<semaphore_mem>>)
      %dma_wait3A = arith.constant 0 : i32
      %dma_wait3A_238 = tpu.memref_slice %arg12[%arg1, %dma_wait3A] : memref<16x2048xi32, #tpu.memory_space<vmem_shared>> -> memref<1x2048xi32, #tpu.memory_space<vmem_shared>>
      %dma_wait3A_239 = tpu.memref_squeeze %dma_wait3A_238 : memref<1x2048xi32, #tpu.memory_space<vmem_shared>> -> memref<2048xi32, #tpu.memory_space<vmem_shared>>
      %dma_wait3A_240 = arith.constant 0 : i32
      %dma_wait3A_241 = tpu.memref_slice %arg12[%arg1, %dma_wait3A_240] : memref<16x2048xi32, #tpu.memory_space<vmem_shared>> -> memref<1x2048xi32, #tpu.memory_space<vmem_shared>>
      %dma_wait3A_242 = tpu.memref_squeeze %dma_wait3A_241 : memref<1x2048xi32, #tpu.memory_space<vmem_shared>> -> memref<2048xi32, #tpu.memory_space<vmem_shared>>
      tpu.wait_dma2 semaphore(%run_scoped3A : memref<!tpu.dma_semaphore, #tpu.memory_space<semaphore_mem>>) src(%arg7 : memref<2048xi32, #tpu.memory_space<vmem>>) dst(%dma_wait3A_242 : memref<2048xi32, #tpu.memory_space<vmem_shared>>)
      tpu.yield
    }) : () -> ()
    %barrier3A_58 = arith.constant 0 : index
    tpu.barrier barrier_id(%barrier3A_58)
    %xor3A_59 = arith.constant 1 : i32
    %xor3A_60 = arith.xori %arg1, %xor3A_59 : i32
    "tpu.region"() ({
      %run_scoped3A = tpu.sem_alloc : memref<!tpu.dma_semaphore, #tpu.memory_space<semaphore_mem>>
      %dma_start3A = arith.constant 0 : i32
      %dma_start3A_233 = tpu.memref_slice %arg12[%xor3A_60, %dma_start3A] : memref<16x2048xi32, #tpu.memory_space<vmem_shared>> -> memref<1x2048xi32, #tpu.memory_space<vmem_shared>>
      %dma_start3A_234 = tpu.memref_squeeze %dma_start3A_233 : memref<1x2048xi32, #tpu.memory_space<vmem_shared>> -> memref<2048xi32, #tpu.memory_space<vmem_shared>>
      %dma_start3A_235 = arith.constant 0 : i32
      %dma_start3A_236 = tpu.memref_slice %arg12[%xor3A_60, %dma_start3A_235] : memref<16x2048xi32, #tpu.memory_space<vmem_shared>> -> memref<1x2048xi32, #tpu.memory_space<vmem_shared>>
      %dma_start3A_237 = tpu.memref_squeeze %dma_start3A_236 : memref<1x2048xi32, #tpu.memory_space<vmem_shared>> -> memref<2048xi32, #tpu.memory_space<vmem_shared>>
      tpu.enqueue_dma source(%dma_start3A_237 : memref<2048xi32, #tpu.memory_space<vmem_shared>>) target(%arg8 : memref<2048xi32, #tpu.memory_space<vmem>>) target_semaphore(%run_scoped3A : memref<!tpu.dma_semaphore, #tpu.memory_space<semaphore_mem>>)
      %dma_wait3A = arith.constant 0 : i32
      %dma_wait3A_238 = tpu.memref_slice %arg12[%xor3A_60, %dma_wait3A] : memref<16x2048xi32, #tpu.memory_space<vmem_shared>> -> memref<1x2048xi32, #tpu.memory_space<vmem_shared>>
      %dma_wait3A_239 = tpu.memref_squeeze %dma_wait3A_238 : memref<1x2048xi32, #tpu.memory_space<vmem_shared>> -> memref<2048xi32, #tpu.memory_space<vmem_shared>>
      %dma_wait3A_240 = arith.constant 0 : i32
      %dma_wait3A_241 = tpu.memref_slice %arg12[%xor3A_60, %dma_wait3A_240] : memref<16x2048xi32, #tpu.memory_space<vmem_shared>> -> memref<1x2048xi32, #tpu.memory_space<vmem_shared>>
      %dma_wait3A_242 = tpu.memref_squeeze %dma_wait3A_241 : memref<1x2048xi32, #tpu.memory_space<vmem_shared>> -> memref<2048xi32, #tpu.memory_space<vmem_shared>>
      tpu.wait_dma2 semaphore(%run_scoped3A : memref<!tpu.dma_semaphore, #tpu.memory_space<semaphore_mem>>) src(%dma_wait3A_242 : memref<2048xi32, #tpu.memory_space<vmem_shared>>) dst(%arg8 : memref<2048xi32, #tpu.memory_space<vmem>>)
      tpu.yield
    }) : () -> ()
    %barrier3A_61 = arith.constant 0 : index
    tpu.barrier barrier_id(%barrier3A_61)
    %scan3A_62 = arith.constant 2147483647 : i32
    %scan3A_63 = arith.constant 0 : i32
    %scan3A_64 = arith.constant 0 : i32
    %scan3A_65 = arith.constant 0 : i32
    %scan3A_66 = arith.constant 0 : i32
    %scan3A_67 = arith.constant 0 : i32
    %scan3A_68 = arith.constant 128 : i32
    %scan3A_69 = arith.addi %scan3A_67, %scan3A_68 : i32
    %scan3A_70 = arith.constant 1 : i32
    %scan3A_71:4 = scf.for %scan3A_233 = %scan3A_67 to %scan3A_69 step %scan3A_70 iter_args(%scan3A_234 = %scan3A_63, %scan3A_235 = %scan3A_64, %scan3A_236 = %scan3A_65, %scan3A_237 = %scan3A_66) -> (i32, i32, i32, i32)  : i32 {
      %mul3A_238 = arith.constant 16 : i32
      %mul3A_239 = arith.muli %scan3A_233, %mul3A_238 : i32
      %get3A_240 = arith.index_cast %mul3A_239 : i32 to index
      %get3A_241 = tpu.vector_load %arg7[%get3A_240] {strides = array<i32>} : memref<2048xi32, #tpu.memory_space<vmem>>, vector<16xi32>,
      %mul3A_242 = arith.constant 16 : i32
      %mul3A_243 = arith.muli %scan3A_233, %mul3A_242 : i32
      %get3A_244 = arith.index_cast %mul3A_243 : i32 to index
      %get3A_245 = tpu.vector_load %arg8[%get3A_244] {strides = array<i32>} : memref<2048xi32, #tpu.memory_space<vmem>>, vector<16xi32>,
      %add3A_246 = arith.addi %get3A_241, %get3A_245 : vector<16xi32>
      %broadcast_in_dim3A_247 = arith.constant true
      %broadcast_in_dim3A_248 = vector.broadcast %broadcast_in_dim3A_247 : i1 to vector<16xi1>
      %masked_cumsum3A_249 = tpu.scan <sum>, %add3A_246 masked %broadcast_in_dim3A_248 : vector<16xi32>, vector<16xi1> -> vector<16xi32>
      %slice3A_250 = vector.extract_strided_slice %masked_cumsum3A_249 {offsets = [15], sizes = [1], strides = [1]} : vector<16xi32> to vector<1xi32>
      %squeeze3A_251 = vector.extract %slice3A_250[0] : i32 from vector<1xi32>
      %add3A_252 = arith.addi %add3A_50, %scan3A_234 : i32
      %add3A_253 = vector.broadcast %add3A_252 : i32 to vector<16xi32>
      %add3A_254 = arith.addi %add3A_253, %masked_cumsum3A_249 : vector<16xi32>
      %lt3A_255 = vector.broadcast %add3A_11 : i32 to vector<16xi32>
      %lt3A_256 = arith.cmpi slt, %add3A_254, %lt3A_255 : vector<16xi32>
      %all_reduce_population_count3A = tpu.all_reduce %lt3A_256 {dim = 0 : i64, kind = #tpu.reduction_kind<sum>} : vector<16xi1> -> vector<16xi32>
      %slice3A_257 = vector.extract_strided_slice %all_reduce_population_count3A {offsets = [0], sizes = [1], strides = [1]} : vector<16xi32> to vector<1xi32>
      %squeeze3A_258 = vector.extract %slice3A_257[0] : i32 from vector<1xi32>
      %add3A_259 = arith.addi %add3A_50, %scan3A_234 : i32
      %add3A_260 = arith.addi %add3A_259, %squeeze3A_251 : i32
      %ge3A_261 = arith.cmpi sge, %add3A_260, %add3A_11 : i32
      %eq3A_262 = arith.constant 0 : i32
      %eq3A_263 = arith.cmpi eq, %scan3A_237, %eq3A_262 : i32
      %and3A_264 = arith.andi %ge3A_261, %eq3A_263 : i1
      %select_n3A_265 = arith.select %and3A_264, %scan3A_234, %scan3A_236 : i32
      %jit3A_266 = arith.constant 1 : i32
      %select_n3A_267 = arith.select %ge3A_261, %jit3A_266, %scan3A_237 : i32
      %add3A_268 = arith.addi %scan3A_234, %squeeze3A_251 : i32
      %add3A_269 = arith.addi %scan3A_235, %squeeze3A_258 : i32
      scf.yield %add3A_268, %add3A_269, %select_n3A_265, %select_n3A_267 : i32, i32, i32, i32
    }
    %scan3A_72 = arith.constant 128 : i32
    %shift_right_arithmetic3A_73 = arith.constant 4 : i32
    %shift_right_arithmetic3A_74 = arith.shrsi %scan3A_71#1, %shift_right_arithmetic3A_73 : i32
    %and3A_75 = arith.constant 15 : i32
    %and3A_76 = arith.andi %scan3A_71#1, %and3A_75 : i32
    %mul3A_77 = arith.constant 16 : i32
    %mul3A_78 = arith.muli %shift_right_arithmetic3A_74, %mul3A_77 : i32
    %get3A_79 = arith.index_cast %mul3A_78 : i32 to index
    %get3A_80 = tpu.vector_load %arg7[%get3A_79] {strides = array<i32>} : memref<2048xi32, #tpu.memory_space<vmem>>, vector<16xi32>,
    %mul3A_81 = arith.constant 16 : i32
    %mul3A_82 = arith.muli %shift_right_arithmetic3A_74, %mul3A_81 : i32
    %get3A_83 = arith.index_cast %mul3A_82 : i32 to index
    %get3A_84 = tpu.vector_load %arg8[%get3A_83] {strides = array<i32>} : memref<2048xi32, #tpu.memory_space<vmem>>, vector<16xi32>,
    %add3A_85 = arith.addi %get3A_80, %get3A_84 : vector<16xi32>
    %iota3A_86 = tpu.iota {dimensions = array<i32: 0>} : vector<16xi32>
    %lt3A_87 = vector.broadcast %and3A_76 : i32 to vector<16xi32>
    %lt3A_88 = arith.cmpi slt, %iota3A_86, %lt3A_87 : vector<16xi32>
    %jit3A_89 = arith.constant 0 : i32
    %broadcast_in_dim3A_90 = vector.broadcast %jit3A_89 : i32 to vector<16xi32>
    %select_n3A_91 = arith.select %lt3A_88, %add3A_85, %broadcast_in_dim3A_90 : vector<16xi1>, vector<16xi32>
    %broadcast_in_dim3A_92 = arith.constant true
    %broadcast_in_dim3A_93 = vector.broadcast %broadcast_in_dim3A_92 : i1 to vector<16xi1>
    %masked_cumsum3A_94 = tpu.scan <sum>, %select_n3A_91 masked %broadcast_in_dim3A_93 : vector<16xi32>, vector<16xi1> -> vector<16xi32>
    %slice3A_95 = vector.extract_strided_slice %masked_cumsum3A_94 {offsets = [15], sizes = [1], strides = [1]} : vector<16xi32> to vector<1xi32>
    %squeeze3A_96 = vector.extract %slice3A_95[0] : i32 from vector<1xi32>
    %add3A_97 = arith.addi %add3A_50, %scan3A_71#2 : i32
    %add3A_98 = arith.addi %add3A_97, %squeeze3A_96 : i32
    %shift_left3A = arith.constant 11 : i32
    %shift_left3A_99 = arith.shli %sub3A_51, %shift_left3A : i32
    %or3A = arith.ori %shift_left3A_99, %scan3A_71#1 : i32
    %parallel_loop3A_100 = arith.constant 0 : i32
    %parallel_loop3A_101 = arith.constant 128 : i32
    %parallel_loop3A_102 = arith.constant 1 : i32
    scf.for %parallel_loop3A_233 = %parallel_loop3A_100 to %parallel_loop3A_101 step %parallel_loop3A_102  : i32 {
      %parallel_loop3A_234 = arith.constant 0 : i32
      %parallel_loop3A_235 = vector.broadcast %parallel_loop3A_234 : i32 to vector<16xi32>
      %parallel_loop3A_236 = arith.constant 16 : i32
      %parallel_loop3A_237 = arith.muli %parallel_loop3A_233, %parallel_loop3A_236 : i32
      %parallel_loop3A_238 = arith.index_cast %parallel_loop3A_237 : i32 to index
      %parallel_loop3A_239 = tpu.vector_load %arg7[%parallel_loop3A_238] {strides = array<i32>} : memref<2048xi32, #tpu.memory_space<vmem>>, vector<16xi32>,
      tpu.vector_store %arg7[%parallel_loop3A_238], %parallel_loop3A_235 {strides = array<i32>} : memref<2048xi32, #tpu.memory_space<vmem>>, vector<16xi32>,
    } {sc.loop_unroll_factor = 8 : i64, sc.parallel_access}
    %broadcast_in_dim3A_103 = arith.constant 2147483647 : i32
    %broadcast_in_dim3A_104 = vector.broadcast %broadcast_in_dim3A_103 : i32 to vector<16xi32>
    %parallel_loop3A_105 = arith.constant 0 : i32
    %parallel_loop3A_106 = arith.constant 6144 : i32
    %parallel_loop3A_107 = arith.constant 1 : i32
    %parallel_loop3A_108 = scf.for %parallel_loop3A_233 = %parallel_loop3A_105 to %parallel_loop3A_106 step %parallel_loop3A_107 iter_args(%parallel_loop3A_234 = %broadcast_in_dim3A_104) -> (vector<16xi32>)  : i32 {
      %parallel_loop3A_235 = arith.constant 16 : i32
      %parallel_loop3A_236 = arith.muli %parallel_loop3A_233, %parallel_loop3A_235 : i32
      %parallel_loop3A_237 = arith.index_cast %parallel_loop3A_236 : i32 to index
      %parallel_loop3A_238 = tpu.vector_load %arg6[%parallel_loop3A_237] {strides = array<i32>} : memref<98304xi32, #tpu.memory_space<vmem>>, vector<16xi32>,
      %parallel_loop3A_239 = arith.constant 10 : i32
      %parallel_loop3A_240 = vector.broadcast %parallel_loop3A_239 : i32 to vector<16xi32>
      %parallel_loop3A_241 = arith.shrsi %parallel_loop3A_238, %parallel_loop3A_240 : vector<16xi32>
      %parallel_loop3A_242 = vector.broadcast %or3A : i32 to vector<16xi32>
      %parallel_loop3A_243 = arith.cmpi eq, %parallel_loop3A_241, %parallel_loop3A_242 : vector<16xi32>
      %parallel_loop3A_244 = arith.constant 1023 : i32
      %parallel_loop3A_245 = vector.broadcast %parallel_loop3A_244 : i32 to vector<16xi32>
      %parallel_loop3A_246 = arith.andi %parallel_loop3A_238, %parallel_loop3A_245 : vector<16xi32>
      tpu.vector_store_idx %arg7[%parallel_loop3A_246], %broadcast_in_dim3A_12 masked %parallel_loop3A_243 {add = true} : memref<2048xi32, #tpu.memory_space<vmem>>[vector<16xi32>], vector<16xi32>, vector<16xi1>
      %parallel_loop3A_247 = arith.constant 10 : i32
      %parallel_loop3A_248 = vector.broadcast %parallel_loop3A_247 : i32 to vector<16xi32>
      %parallel_loop3A_249 = arith.shrsi %parallel_loop3A_238, %parallel_loop3A_248 : vector<16xi32>
      %parallel_loop3A_250 = vector.broadcast %or3A : i32 to vector<16xi32>
      %parallel_loop3A_251 = arith.cmpi sgt, %parallel_loop3A_249, %parallel_loop3A_250 : vector<16xi32>
      %parallel_loop3A_252 = arith.minsi %parallel_loop3A_234, %parallel_loop3A_238 : vector<16xi32>
      %parallel_loop3A_253 = arith.select %parallel_loop3A_251, %parallel_loop3A_252, %parallel_loop3A_234 : vector<16xi1>, vector<16xi32>
      scf.yield %parallel_loop3A_253 : vector<16xi32>
    } {sc.loop_unroll_factor = 8 : i64, sc.parallel_access}
    %neg3A = arith.constant 0 : i32
    %neg3A_109 = vector.broadcast %neg3A : i32 to vector<16xi32>
    %neg3A_110 = arith.subi %neg3A_109, %parallel_loop3A_108 : vector<16xi32>
    %broadcast_in_dim3A_111 = arith.constant true
    %broadcast_in_dim3A_112 = vector.broadcast %broadcast_in_dim3A_111 : i1 to vector<16xi1>
    %masked_cummax3A = arith.constant -2147483648 : i32
    %masked_cummax3A_113 = vector.broadcast %masked_cummax3A : i32 to vector<16xi32>
    %masked_cummax3A_114 = arith.xori %neg3A_110, %masked_cummax3A_113 : vector<16xi32>
    %masked_cummax3A_115 = tpu.scan <max>, %masked_cummax3A_114 masked %broadcast_in_dim3A_112 : vector<16xi32>, vector<16xi1> -> vector<16xi32>
    %masked_cummax3A_116 = arith.xori %masked_cummax3A_115, %masked_cummax3A_113 : vector<16xi32>
    %slice3A_117 = vector.extract_strided_slice %masked_cummax3A_116 {offsets = [15], sizes = [1], strides = [1]} : vector<16xi32> to vector<1xi32>
    %squeeze3A_118 = vector.extract %slice3A_117[0] : i32 from vector<1xi32>
    %neg3A_119 = arith.constant 0 : i32
    %neg3A_120 = arith.subi %neg3A_119, %squeeze3A_118 : i32
    "tpu.region"() ({
      %run_scoped3A = tpu.sem_alloc : memref<!tpu.dma_semaphore, #tpu.memory_space<semaphore_mem>>
      %dma_start3A = arith.constant 0 : i32
      %dma_start3A_233 = tpu.memref_slice %arg12[%arg1, %dma_start3A] : memref<16x2048xi32, #tpu.memory_space<vmem_shared>> -> memref<1x2048xi32, #tpu.memory_space<vmem_shared>>
      %dma_start3A_234 = tpu.memref_squeeze %dma_start3A_233 : memref<1x2048xi32, #tpu.memory_space<vmem_shared>> -> memref<2048xi32, #tpu.memory_space<vmem_shared>>
      %dma_start3A_235 = arith.constant 0 : i32
      %dma_start3A_236 = tpu.memref_slice %arg12[%arg1, %dma_start3A_235] : memref<16x2048xi32, #tpu.memory_space<vmem_shared>> -> memref<1x2048xi32, #tpu.memory_space<vmem_shared>>
      %dma_start3A_237 = tpu.memref_squeeze %dma_start3A_236 : memref<1x2048xi32, #tpu.memory_space<vmem_shared>> -> memref<2048xi32, #tpu.memory_space<vmem_shared>>
      tpu.enqueue_dma source(%arg7 : memref<2048xi32, #tpu.memory_space<vmem>>) target(%dma_start3A_237 : memref<2048xi32, #tpu.memory_space<vmem_shared>>) target_semaphore(%run_scoped3A : memref<!tpu.dma_semaphore, #tpu.memory_space<semaphore_mem>>)
      %dma_wait3A = arith.constant 0 : i32
      %dma_wait3A_238 = tpu.memref_slice %arg12[%arg1, %dma_wait3A] : memref<16x2048xi32, #tpu.memory_space<vmem_shared>> -> memref<1x2048xi32, #tpu.memory_space<vmem_shared>>
      %dma_wait3A_239 = tpu.memref_squeeze %dma_wait3A_238 : memref<1x2048xi32, #tpu.memory_space<vmem_shared>> -> memref<2048xi32, #tpu.memory_space<vmem_shared>>
      %dma_wait3A_240 = arith.constant 0 : i32
      %dma_wait3A_241 = tpu.memref_slice %arg12[%arg1, %dma_wait3A_240] : memref<16x2048xi32, #tpu.memory_space<vmem_shared>> -> memref<1x2048xi32, #tpu.memory_space<vmem_shared>>
      %dma_wait3A_242 = tpu.memref_squeeze %dma_wait3A_241 : memref<1x2048xi32, #tpu.memory_space<vmem_shared>> -> memref<2048xi32, #tpu.memory_space<vmem_shared>>
      tpu.wait_dma2 semaphore(%run_scoped3A : memref<!tpu.dma_semaphore, #tpu.memory_space<semaphore_mem>>) src(%arg7 : memref<2048xi32, #tpu.memory_space<vmem>>) dst(%dma_wait3A_242 : memref<2048xi32, #tpu.memory_space<vmem_shared>>)
      tpu.yield
    }) : () -> ()
    %barrier3A_121 = arith.constant 0 : index
    tpu.barrier barrier_id(%barrier3A_121)
    %xor3A_122 = arith.constant 1 : i32
    %xor3A_123 = arith.xori %arg1, %xor3A_122 : i32
    "tpu.region"() ({
      %run_scoped3A = tpu.sem_alloc : memref<!tpu.dma_semaphore, #tpu.memory_space<semaphore_mem>>
      %dma_start3A = arith.constant 0 : i32
      %dma_start3A_233 = tpu.memref_slice %arg12[%xor3A_123, %dma_start3A] : memref<16x2048xi32, #tpu.memory_space<vmem_shared>> -> memref<1x2048xi32, #tpu.memory_space<vmem_shared>>
      %dma_start3A_234 = tpu.memref_squeeze %dma_start3A_233 : memref<1x2048xi32, #tpu.memory_space<vmem_shared>> -> memref<2048xi32, #tpu.memory_space<vmem_shared>>
      %dma_start3A_235 = arith.constant 0 : i32
      %dma_start3A_236 = tpu.memref_slice %arg12[%xor3A_123, %dma_start3A_235] : memref<16x2048xi32, #tpu.memory_space<vmem_shared>> -> memref<1x2048xi32, #tpu.memory_space<vmem_shared>>
      %dma_start3A_237 = tpu.memref_squeeze %dma_start3A_236 : memref<1x2048xi32, #tpu.memory_space<vmem_shared>> -> memref<2048xi32, #tpu.memory_space<vmem_shared>>
      tpu.enqueue_dma source(%dma_start3A_237 : memref<2048xi32, #tpu.memory_space<vmem_shared>>) target(%arg8 : memref<2048xi32, #tpu.memory_space<vmem>>) target_semaphore(%run_scoped3A : memref<!tpu.dma_semaphore, #tpu.memory_space<semaphore_mem>>)
      %dma_wait3A = arith.constant 0 : i32
      %dma_wait3A_238 = tpu.memref_slice %arg12[%xor3A_123, %dma_wait3A] : memref<16x2048xi32, #tpu.memory_space<vmem_shared>> -> memref<1x2048xi32, #tpu.memory_space<vmem_shared>>
      %dma_wait3A_239 = tpu.memref_squeeze %dma_wait3A_238 : memref<1x2048xi32, #tpu.memory_space<vmem_shared>> -> memref<2048xi32, #tpu.memory_space<vmem_shared>>
      %dma_wait3A_240 = arith.constant 0 : i32
      %dma_wait3A_241 = tpu.memref_slice %arg12[%xor3A_123, %dma_wait3A_240] : memref<16x2048xi32, #tpu.memory_space<vmem_shared>> -> memref<1x2048xi32, #tpu.memory_space<vmem_shared>>
      %dma_wait3A_242 = tpu.memref_squeeze %dma_wait3A_241 : memref<1x2048xi32, #tpu.memory_space<vmem_shared>> -> memref<2048xi32, #tpu.memory_space<vmem_shared>>
      tpu.wait_dma2 semaphore(%run_scoped3A : memref<!tpu.dma_semaphore, #tpu.memory_space<semaphore_mem>>) src(%dma_wait3A_242 : memref<2048xi32, #tpu.memory_space<vmem_shared>>) dst(%arg8 : memref<2048xi32, #tpu.memory_space<vmem>>)
      tpu.yield
    }) : () -> ()
    %barrier3A_124 = arith.constant 0 : index
    tpu.barrier barrier_id(%barrier3A_124)
    %scan3A_125 = arith.constant 0 : i32
    %scan3A_126 = arith.constant 0 : i32
    %scan3A_127 = arith.constant 0 : i32
    %scan3A_128 = arith.constant 0 : i32
    %scan3A_129 = arith.constant 2147483647 : i32
    %scan3A_130 = arith.constant 0 : i32
    %scan3A_131 = arith.constant 128 : i32
    %scan3A_132 = arith.addi %scan3A_130, %scan3A_131 : i32
    %scan3A_133 = arith.constant 1 : i32
    %scan3A_134:5 = scf.for %scan3A_233 = %scan3A_130 to %scan3A_132 step %scan3A_133 iter_args(%scan3A_234 = %scan3A_125, %scan3A_235 = %scan3A_126, %scan3A_236 = %scan3A_127, %scan3A_237 = %scan3A_128, %scan3A_238 = %scan3A_129) -> (i32, i32, i32, i32, i32)  : i32 {
      %mul3A_239 = arith.constant 16 : i32
      %mul3A_240 = arith.muli %scan3A_233, %mul3A_239 : i32
      %get3A_241 = arith.index_cast %mul3A_240 : i32 to index
      %get3A_242 = tpu.vector_load %arg7[%get3A_241] {strides = array<i32>} : memref<2048xi32, #tpu.memory_space<vmem>>, vector<16xi32>,
      %mul3A_243 = arith.constant 16 : i32
      %mul3A_244 = arith.muli %scan3A_233, %mul3A_243 : i32
      %get3A_245 = arith.index_cast %mul3A_244 : i32 to index
      %get3A_246 = tpu.vector_load %arg8[%get3A_245] {strides = array<i32>} : memref<2048xi32, #tpu.memory_space<vmem>>, vector<16xi32>,
      %add3A_247 = arith.addi %get3A_242, %get3A_246 : vector<16xi32>
      %broadcast_in_dim3A_248 = arith.constant true
      %broadcast_in_dim3A_249 = vector.broadcast %broadcast_in_dim3A_248 : i1 to vector<16xi1>
      %masked_cumsum3A_250 = tpu.scan <sum>, %add3A_247 masked %broadcast_in_dim3A_249 : vector<16xi32>, vector<16xi1> -> vector<16xi32>
      %slice3A_251 = vector.extract_strided_slice %masked_cumsum3A_250 {offsets = [15], sizes = [1], strides = [1]} : vector<16xi32> to vector<1xi32>
      %squeeze3A_252 = vector.extract %slice3A_251[0] : i32 from vector<1xi32>
      %add3A_253 = arith.addi %add3A_98, %scan3A_234 : i32
      %add3A_254 = vector.broadcast %add3A_253 : i32 to vector<16xi32>
      %add3A_255 = arith.addi %add3A_254, %masked_cumsum3A_250 : vector<16xi32>
      %lt3A_256 = vector.broadcast %add3A_11 : i32 to vector<16xi32>
      %lt3A_257 = arith.cmpi slt, %add3A_255, %lt3A_256 : vector<16xi32>
      %all_reduce_population_count3A = tpu.all_reduce %lt3A_257 {dim = 0 : i64, kind = #tpu.reduction_kind<sum>} : vector<16xi1> -> vector<16xi32>
      %slice3A_258 = vector.extract_strided_slice %all_reduce_population_count3A {offsets = [0], sizes = [1], strides = [1]} : vector<16xi32> to vector<1xi32>
      %squeeze3A_259 = vector.extract %slice3A_258[0] : i32 from vector<1xi32>
      %add3A_260 = arith.addi %add3A_98, %scan3A_234 : i32
      %add3A_261 = arith.addi %add3A_260, %squeeze3A_252 : i32
      %ge3A_262 = arith.cmpi sge, %add3A_261, %add3A_11 : i32
      %eq3A_263 = arith.constant 0 : i32
      %eq3A_264 = arith.cmpi eq, %scan3A_237, %eq3A_263 : i32
      %and3A_265 = arith.andi %ge3A_262, %eq3A_264 : i1
      %select_n3A_266 = arith.select %and3A_265, %scan3A_234, %scan3A_236 : i32
      %jit3A_267 = arith.constant 1 : i32
      %select_n3A_268 = arith.select %ge3A_262, %jit3A_267, %scan3A_237 : i32
      %mul3A_269 = arith.constant 16 : i32
      %mul3A_270 = arith.muli %scan3A_233, %mul3A_269 : i32
      %iota3A_271 = tpu.iota {dimensions = array<i32: 0>} : vector<16xi32>
      %add3A_272 = vector.broadcast %mul3A_270 : i32 to vector<16xi32>
      %add3A_273 = arith.addi %add3A_272, %iota3A_271 : vector<16xi32>
      %add3A_274 = arith.addi %add3A_98, %scan3A_234 : i32
      %sub3A_275 = arith.subi %masked_cumsum3A_250, %add3A_247 : vector<16xi32>
      %add3A_276 = vector.broadcast %add3A_274 : i32 to vector<16xi32>
      %add3A_277 = arith.addi %add3A_276, %sub3A_275 : vector<16xi32>
      %ge3A_278 = vector.broadcast %add3A_11 : i32 to vector<16xi32>
      %ge3A_279 = arith.cmpi sge, %add3A_277, %ge3A_278 : vector<16xi32>
      %gt3A = arith.constant 0 : i32
      %gt3A_280 = vector.broadcast %gt3A : i32 to vector<16xi32>
      %gt3A_281 = arith.cmpi sgt, %add3A_247, %gt3A_280 : vector<16xi32>
      %and3A_282 = arith.andi %ge3A_279, %gt3A_281 : vector<16xi1>
      %jit3A_283 = arith.constant 2147483647 : i32
      %broadcast_in_dim3A_284 = vector.broadcast %jit3A_283 : i32 to vector<16xi32>
      %select_n3A_285 = arith.select %and3A_282, %add3A_273, %broadcast_in_dim3A_284 : vector<16xi1>, vector<16xi32>
      %neg3A_286 = arith.constant 0 : i32
      %neg3A_287 = vector.broadcast %neg3A_286 : i32 to vector<16xi32>
      %neg3A_288 = arith.subi %neg3A_287, %select_n3A_285 : vector<16xi32>
      %broadcast_in_dim3A_289 = arith.constant true
      %broadcast_in_dim3A_290 = vector.broadcast %broadcast_in_dim3A_289 : i1 to vector<16xi1>
      %masked_cummax3A_291 = arith.constant -2147483648 : i32
      %masked_cummax3A_292 = vector.broadcast %masked_cummax3A_291 : i32 to vector<16xi32>
      %masked_cummax3A_293 = arith.xori %neg3A_288, %masked_cummax3A_292 : vector<16xi32>
      %masked_cummax3A_294 = tpu.scan <max>, %masked_cummax3A_293 masked %broadcast_in_dim3A_290 : vector<16xi32>, vector<16xi1> -> vector<16xi32>
      %masked_cummax3A_295 = arith.xori %masked_cummax3A_294, %masked_cummax3A_292 : vector<16xi32>
      %slice3A_296 = vector.extract_strided_slice %masked_cummax3A_295 {offsets = [15], sizes = [1], strides = [1]} : vector<16xi32> to vector<1xi32>
      %squeeze3A_297 = vector.extract %slice3A_296[0] : i32 from vector<1xi32>
      %neg3A_298 = arith.constant 0 : i32
      %neg3A_299 = arith.subi %neg3A_298, %squeeze3A_297 : i32
      %min3A_300 = arith.minsi %scan3A_238, %neg3A_299 : i32
      %add3A_301 = arith.addi %scan3A_234, %squeeze3A_252 : i32
      %add3A_302 = arith.addi %scan3A_235, %squeeze3A_259 : i32
      scf.yield %add3A_301, %add3A_302, %select_n3A_266, %select_n3A_268, %min3A_300 : i32, i32, i32, i32, i32
    }
    %scan3A_135 = arith.constant 128 : i32
    %shift_right_arithmetic3A_136 = arith.constant 4 : i32
    %shift_right_arithmetic3A_137 = arith.shrsi %scan3A_134#1, %shift_right_arithmetic3A_136 : i32
    %and3A_138 = arith.constant 15 : i32
    %and3A_139 = arith.andi %scan3A_134#1, %and3A_138 : i32
    %mul3A_140 = arith.constant 16 : i32
    %mul3A_141 = arith.muli %shift_right_arithmetic3A_137, %mul3A_140 : i32
    %get3A_142 = arith.index_cast %mul3A_141 : i32 to index
    %get3A_143 = tpu.vector_load %arg7[%get3A_142] {strides = array<i32>} : memref<2048xi32, #tpu.memory_space<vmem>>, vector<16xi32>,
    %mul3A_144 = arith.constant 16 : i32
    %mul3A_145 = arith.muli %shift_right_arithmetic3A_137, %mul3A_144 : i32
    %get3A_146 = arith.index_cast %mul3A_145 : i32 to index
    %get3A_147 = tpu.vector_load %arg8[%get3A_146] {strides = array<i32>} : memref<2048xi32, #tpu.memory_space<vmem>>, vector<16xi32>,
    %add3A_148 = arith.addi %get3A_143, %get3A_147 : vector<16xi32>
    %iota3A_149 = tpu.iota {dimensions = array<i32: 0>} : vector<16xi32>
    %lt3A_150 = vector.broadcast %and3A_139 : i32 to vector<16xi32>
    %lt3A_151 = arith.cmpi slt, %iota3A_149, %lt3A_150 : vector<16xi32>
    %jit3A_152 = arith.constant 0 : i32
    %broadcast_in_dim3A_153 = vector.broadcast %jit3A_152 : i32 to vector<16xi32>
    %select_n3A_154 = arith.select %lt3A_151, %add3A_148, %broadcast_in_dim3A_153 : vector<16xi1>, vector<16xi32>
    %broadcast_in_dim3A_155 = arith.constant true
    %broadcast_in_dim3A_156 = vector.broadcast %broadcast_in_dim3A_155 : i1 to vector<16xi1>
    %masked_cumsum3A_157 = tpu.scan <sum>, %select_n3A_154 masked %broadcast_in_dim3A_156 : vector<16xi32>, vector<16xi1> -> vector<16xi32>
    %slice3A_158 = vector.extract_strided_slice %masked_cumsum3A_157 {offsets = [15], sizes = [1], strides = [1]} : vector<16xi32> to vector<1xi32>
    %squeeze3A_159 = vector.extract %slice3A_158[0] : i32 from vector<1xi32>
    %eq3A = vector.broadcast %and3A_139 : i32 to vector<16xi32>
    %eq3A_160 = arith.cmpi eq, %iota3A_149, %eq3A : vector<16xi32>
    %jit3A_161 = arith.constant 0 : i32
    %broadcast_in_dim3A_162 = vector.broadcast %jit3A_161 : i32 to vector<16xi32>
    %select_n3A_163 = arith.select %eq3A_160, %add3A_148, %broadcast_in_dim3A_162 : vector<16xi1>, vector<16xi32>
    %broadcast_in_dim3A_164 = arith.constant true
    %broadcast_in_dim3A_165 = vector.broadcast %broadcast_in_dim3A_164 : i1 to vector<16xi1>
    %masked_cumsum3A_166 = tpu.scan <sum>, %select_n3A_163 masked %broadcast_in_dim3A_165 : vector<16xi32>, vector<16xi1> -> vector<16xi32>
    %slice3A_167 = vector.extract_strided_slice %masked_cumsum3A_166 {offsets = [15], sizes = [1], strides = [1]} : vector<16xi32> to vector<1xi32>
    %squeeze3A_168 = vector.extract %slice3A_167[0] : i32 from vector<1xi32>
    %add3A_169 = arith.addi %add3A_98, %scan3A_134#2 : i32
    %add3A_170 = arith.addi %add3A_169, %squeeze3A_159 : i32
    %shift_left3A_171 = arith.constant 10 : i32
    %shift_left3A_172 = arith.shli %or3A, %shift_left3A_171 : i32
    %or3A_173 = arith.ori %shift_left3A_172, %scan3A_134#1 : i32
    %iota3A_174 = tpu.iota {dimensions = array<i32: 0>} : vector<16xi32>
    %eq3A_175 = arith.constant 0 : i32
    %eq3A_176 = vector.broadcast %eq3A_175 : i32 to vector<16xi32>
    %eq3A_177 = arith.cmpi eq, %iota3A_174, %eq3A_176 : vector<16xi32>
    %jit3A_178 = arith.constant 2147483647 : i32
    %broadcast_in_dim3A_179 = vector.broadcast %neg3A_120 : i32 to vector<16xi32>
    %broadcast_in_dim3A_180 = vector.broadcast %jit3A_178 : i32 to vector<16xi32>
    %select_n3A_181 = arith.select %eq3A_177, %broadcast_in_dim3A_179, %broadcast_in_dim3A_180 : vector<16xi1>, vector<16xi32>
    %swap3A = arith.constant 0 : index
    %swap3A_182 = tpu.vector_load %arg11[%swap3A] {strides = array<i32>} : memref<16xi32, #tpu.memory_space<vmem>>, vector<16xi32>,
    tpu.vector_store %arg11[%swap3A], %select_n3A_181 {strides = array<i32>} : memref<16xi32, #tpu.memory_space<vmem>>, vector<16xi32>,
    "tpu.region"() ({
      %run_scoped3A = tpu.sem_alloc : memref<!tpu.dma_semaphore, #tpu.memory_space<semaphore_mem>>
      %dma_start3A = arith.constant 0 : i32
      %dma_start3A_233 = tpu.memref_slice %arg12[%arg1, %dma_start3A] : memref<16x2048xi32, #tpu.memory_space<vmem_shared>> -> memref<1x16xi32, #tpu.memory_space<vmem_shared>>
      %dma_start3A_234 = tpu.memref_squeeze %dma_start3A_233 : memref<1x16xi32, #tpu.memory_space<vmem_shared>> -> memref<16xi32, #tpu.memory_space<vmem_shared>>
      %dma_start3A_235 = arith.constant 0 : i32
      %dma_start3A_236 = tpu.memref_slice %arg12[%arg1, %dma_start3A_235] : memref<16x2048xi32, #tpu.memory_space<vmem_shared>> -> memref<1x16xi32, #tpu.memory_space<vmem_shared>>
      %dma_start3A_237 = tpu.memref_squeeze %dma_start3A_236 : memref<1x16xi32, #tpu.memory_space<vmem_shared>> -> memref<16xi32, #tpu.memory_space<vmem_shared>>
      tpu.enqueue_dma source(%arg11 : memref<16xi32, #tpu.memory_space<vmem>>) target(%dma_start3A_237 : memref<16xi32, #tpu.memory_space<vmem_shared>>) target_semaphore(%run_scoped3A : memref<!tpu.dma_semaphore, #tpu.memory_space<semaphore_mem>>)
      %dma_wait3A = arith.constant 0 : i32
      %dma_wait3A_238 = tpu.memref_slice %arg12[%arg1, %dma_wait3A] : memref<16x2048xi32, #tpu.memory_space<vmem_shared>> -> memref<1x16xi32, #tpu.memory_space<vmem_shared>>
      %dma_wait3A_239 = tpu.memref_squeeze %dma_wait3A_238 : memref<1x16xi32, #tpu.memory_space<vmem_shared>> -> memref<16xi32, #tpu.memory_space<vmem_shared>>
      %dma_wait3A_240 = arith.constant 0 : i32
      %dma_wait3A_241 = tpu.memref_slice %arg12[%arg1, %dma_wait3A_240] : memref<16x2048xi32, #tpu.memory_space<vmem_shared>> -> memref<1x16xi32, #tpu.memory_space<vmem_shared>>
      %dma_wait3A_242 = tpu.memref_squeeze %dma_wait3A_241 : memref<1x16xi32, #tpu.memory_space<vmem_shared>> -> memref<16xi32, #tpu.memory_space<vmem_shared>>
      tpu.wait_dma2 semaphore(%run_scoped3A : memref<!tpu.dma_semaphore, #tpu.memory_space<semaphore_mem>>) src(%arg11 : memref<16xi32, #tpu.memory_space<vmem>>) dst(%dma_wait3A_242 : memref<16xi32, #tpu.memory_space<vmem_shared>>)
      tpu.yield
    }) : () -> ()
    %barrier3A_183 = arith.constant 0 : index
    tpu.barrier barrier_id(%barrier3A_183)
    %xor3A_184 = arith.constant 1 : i32
    %xor3A_185 = arith.xori %arg1, %xor3A_184 : i32
    "tpu.region"() ({
      %run_scoped3A = tpu.sem_alloc : memref<!tpu.dma_semaphore, #tpu.memory_space<semaphore_mem>>
      %dma_start3A = arith.constant 0 : i32
      %dma_start3A_233 = tpu.memref_slice %arg12[%xor3A_185, %dma_start3A] : memref<16x2048xi32, #tpu.memory_space<vmem_shared>> -> memref<1x16xi32, #tpu.memory_space<vmem_shared>>
      %dma_start3A_234 = tpu.memref_squeeze %dma_start3A_233 : memref<1x16xi32, #tpu.memory_space<vmem_shared>> -> memref<16xi32, #tpu.memory_space<vmem_shared>>
      %dma_start3A_235 = arith.constant 0 : i32
      %dma_start3A_236 = tpu.memref_slice %arg12[%xor3A_185, %dma_start3A_235] : memref<16x2048xi32, #tpu.memory_space<vmem_shared>> -> memref<1x16xi32, #tpu.memory_space<vmem_shared>>
      %dma_start3A_237 = tpu.memref_squeeze %dma_start3A_236 : memref<1x16xi32, #tpu.memory_space<vmem_shared>> -> memref<16xi32, #tpu.memory_space<vmem_shared>>
      tpu.enqueue_dma source(%dma_start3A_237 : memref<16xi32, #tpu.memory_space<vmem_shared>>) target(%arg11 : memref<16xi32, #tpu.memory_space<vmem>>) target_semaphore(%run_scoped3A : memref<!tpu.dma_semaphore, #tpu.memory_space<semaphore_mem>>)
      %dma_wait3A = arith.constant 0 : i32
      %dma_wait3A_238 = tpu.memref_slice %arg12[%xor3A_185, %dma_wait3A] : memref<16x2048xi32, #tpu.memory_space<vmem_shared>> -> memref<1x16xi32, #tpu.memory_space<vmem_shared>>
      %dma_wait3A_239 = tpu.memref_squeeze %dma_wait3A_238 : memref<1x16xi32, #tpu.memory_space<vmem_shared>> -> memref<16xi32, #tpu.memory_space<vmem_shared>>
      %dma_wait3A_240 = arith.constant 0 : i32
      %dma_wait3A_241 = tpu.memref_slice %arg12[%xor3A_185, %dma_wait3A_240] : memref<16x2048xi32, #tpu.memory_space<vmem_shared>> -> memref<1x16xi32, #tpu.memory_space<vmem_shared>>
      %dma_wait3A_242 = tpu.memref_squeeze %dma_wait3A_241 : memref<1x16xi32, #tpu.memory_space<vmem_shared>> -> memref<16xi32, #tpu.memory_space<vmem_shared>>
      tpu.wait_dma2 semaphore(%run_scoped3A : memref<!tpu.dma_semaphore, #tpu.memory_space<semaphore_mem>>) src(%dma_wait3A_242 : memref<16xi32, #tpu.memory_space<vmem_shared>>) dst(%arg11 : memref<16xi32, #tpu.memory_space<vmem>>)
      tpu.yield
    }) : () -> ()
    %barrier3A_186 = arith.constant 0 : index
    tpu.barrier barrier_id(%barrier3A_186)
    %get3A_187 = arith.constant 0 : index
    %get3A_188 = tpu.vector_load %arg11[%get3A_187] {strides = array<i32>} : memref<16xi32, #tpu.memory_space<vmem>>, vector<16xi32>,
    %slice3A_189 = vector.extract_strided_slice %get3A_188 {offsets = [0], sizes = [1], strides = [1]} : vector<16xi32> to vector<1xi32>
    %squeeze3A_190 = vector.extract %slice3A_189[0] : i32 from vector<1xi32>
    %min3A = arith.minsi %neg3A_120, %squeeze3A_190 : i32
    %add3A_191 = arith.addi %add3A_170, %squeeze3A_168 : i32
    %shift_left3A_192 = arith.constant 10 : i32
    %shift_left3A_193 = arith.shli %or3A, %shift_left3A_192 : i32
    %or3A_194 = arith.ori %shift_left3A_193, %scan3A_134#4 : i32
    %add3A_195 = arith.constant 2 : i32
    %add3A_196 = arith.addi %squeeze3A, %add3A_195 : i32
    %ge3A = arith.cmpi sge, %add3A_191, %add3A_196 : i32
    %ne3A = arith.constant 2147483647 : i32
    %ne3A_197 = arith.cmpi ne, %scan3A_134#4, %ne3A : i32
    %select_n3A_198 = arith.select %ne3A_197, %or3A_194, %min3A : i32
    %select_n3A_199 = arith.select %ge3A, %or3A_173, %select_n3A_198 : i32
    %shift_right_arithmetic3A_200 = arith.constant 31 : i32
    %shift_right_arithmetic3A_201 = arith.shrsi %or3A_173, %shift_right_arithmetic3A_200 : i32
    %and3A_202 = arith.constant 2147483647 : i32
    %and3A_203 = arith.andi %shift_right_arithmetic3A_201, %and3A_202 : i32
    %xor3A_204 = arith.xori %or3A_173, %and3A_203 : i32
    %bitcast_convert_type3A = arith.bitcast %xor3A_204 : i32 to f32
    %shift_right_arithmetic3A_205 = arith.constant 31 : i32
    %shift_right_arithmetic3A_206 = arith.shrsi %select_n3A_199, %shift_right_arithmetic3A_205 : i32
    %and3A_207 = arith.constant 2147483647 : i32
    %and3A_208 = arith.andi %shift_right_arithmetic3A_206, %and3A_207 : i32
    %xor3A_209 = arith.xori %select_n3A_199, %and3A_208 : i32
    %bitcast_convert_type3A_210 = arith.bitcast %xor3A_209 : i32 to f32
    %sub3A_211 = arith.constant 1.000000e+00 : f32
    %sub3A_212 = arith.subf %sub3A_211, %squeeze3A_9 : f32
    %mul3A_213 = arith.mulf %bitcast_convert_type3A, %sub3A_212 : f32
    %mul3A_214 = arith.mulf %bitcast_convert_type3A_210, %squeeze3A_9 : f32
    %add3A_215 = arith.addf %mul3A_213, %mul3A_214 : f32
    %bitcast_convert_type3A_216 = arith.bitcast %add3A_215 : f32 to i32
    %shift_right_arithmetic3A_217 = arith.constant 31 : i32
    %shift_right_arithmetic3A_218 = arith.shrsi %bitcast_convert_type3A_216, %shift_right_arithmetic3A_217 : i32
    %and3A_219 = arith.constant 2147483647 : i32
    %and3A_220 = arith.andi %shift_right_arithmetic3A_218, %and3A_219 : i32
    %xor3A_221 = arith.xori %bitcast_convert_type3A_216, %and3A_220 : i32
    %ne3A_222 = arith.constant 0 : i32
    %ne3A_223 = arith.cmpi ne, %squeeze3A_7, %ne3A_222 : i32
    %jit3A_224 = arith.constant 2147483647 : i32
    %select_n3A_225 = arith.select %ne3A_223, %jit3A_224, %xor3A_221 : i32
    %broadcast_in_dim3A_226 = arith.constant 1065353216 : i32
    %broadcast_in_dim3A_227 = vector.broadcast %broadcast_in_dim3A_226 : i32 to vector<16xi32>
    %broadcast_in_dim3A_228 = arith.constant 0 : i32
    %broadcast_in_dim3A_229 = vector.broadcast %broadcast_in_dim3A_228 : i32 to vector<16xi32>
    %parallel_loop3A_230 = arith.constant 0 : i32
    %parallel_loop3A_231 = arith.constant 6144 : i32
    %parallel_loop3A_232 = arith.constant 1 : i32
    scf.for %parallel_loop3A_233 = %parallel_loop3A_230 to %parallel_loop3A_231 step %parallel_loop3A_232  : i32 {
      %parallel_loop3A_234 = arith.constant 16 : i32
      %parallel_loop3A_235 = arith.muli %parallel_loop3A_233, %parallel_loop3A_234 : i32
      %parallel_loop3A_236 = arith.index_cast %parallel_loop3A_235 : i32 to index
      %parallel_loop3A_237 = tpu.vector_load %arg6[%parallel_loop3A_236] {strides = array<i32>} : memref<98304xi32, #tpu.memory_space<vmem>>, vector<16xi32>,
      %parallel_loop3A_238 = vector.broadcast %select_n3A_225 : i32 to vector<16xi32>
      %parallel_loop3A_239 = arith.cmpi sge, %parallel_loop3A_237, %parallel_loop3A_238 : vector<16xi32>
      %parallel_loop3A_240 = arith.select %parallel_loop3A_239, %broadcast_in_dim3A_227, %broadcast_in_dim3A_229 : vector<16xi1>, vector<16xi32>
      %parallel_loop3A_241 = arith.index_cast %parallel_loop3A_235 : i32 to index
      %parallel_loop3A_242 = tpu.vector_load %arg6[%parallel_loop3A_241] {strides = array<i32>} : memref<98304xi32, #tpu.memory_space<vmem>>, vector<16xi32>,
      tpu.vector_store %arg6[%parallel_loop3A_241], %parallel_loop3A_240 {strides = array<i32>} : memref<98304xi32, #tpu.memory_space<vmem>>, vector<16xi32>,
    } {sc.loop_unroll_factor = 8 : i64, sc.parallel_access}
    "tpu.region"() ({
      %run_scoped3A = tpu.sem_alloc : memref<!tpu.dma_semaphore, #tpu.memory_space<semaphore_mem>>
      %dma_start3A = tpu.memref_slice %arg5[%mul3A_2] : memref<3145728xi32, #tpu.memory_space<hbm>> -> memref<98304xi32, #tpu.memory_space<hbm>>
      %dma_start3A_233 = tpu.memref_slice %arg5[%mul3A_2] : memref<3145728xi32, #tpu.memory_space<hbm>> -> memref<98304xi32, #tpu.memory_space<hbm>>
      tpu.enqueue_dma source(%arg6 : memref<98304xi32, #tpu.memory_space<vmem>>) target(%dma_start3A_233 : memref<98304xi32, #tpu.memory_space<hbm>>) target_semaphore(%run_scoped3A : memref<!tpu.dma_semaphore, #tpu.memory_space<semaphore_mem>>)
      %dma_wait3A = tpu.memref_slice %arg5[%mul3A_2] : memref<3145728xi32, #tpu.memory_space<hbm>> -> memref<98304xi32, #tpu.memory_space<hbm>>
      %dma_wait3A_234 = tpu.memref_slice %arg5[%mul3A_2] : memref<3145728xi32, #tpu.memory_space<hbm>> -> memref<98304xi32, #tpu.memory_space<hbm>>
      tpu.wait_dma2 semaphore(%run_scoped3A : memref<!tpu.dma_semaphore, #tpu.memory_space<semaphore_mem>>) src(%arg6 : memref<98304xi32, #tpu.memory_space<vmem>>) dst(%dma_wait3A_234 : memref<98304xi32, #tpu.memory_space<hbm>>)
      tpu.yield
    }) : () -> ()
    return
  }
}

</mosaic_0001>

<sc_bundles>
// kernel: kernel.3.cloned.1.call-start
scs
__scs_entry_jumppad:
0x0: {  	(pc) =	sbr.rel $0x88, $3  }
0x1: {  	(tag) =	ssettag $0x0;
	lr =	simm.s32 $0x1  }
0x2: {  	[smem:$0x3F9F] =	sst lr;
	_ =	strace $0xD0000000  }
0x3: {  	_ = 	snop  }
0x4: {  	_ = 	snop  }
0x5: {  	_ = 	snop  }
0x6: {  	_ = 	snop  }
0x7: {  	_ = 	snop  }
__scs_overlays_trampoline_lowered:
0x8: {  	[smem:$0x3FAE] =	sst s0  }
0x9: {  	[smem:$0x3FAF] =	sst s1  }
0xa: {  	[smem:$0x3FB0] =	sst s2  }
0xb: {  	[smem:$0x3FB1] =	sst s3  }
0xc: {  	[smem:$0x3FB2] =	sst s4  }
0xd: {  	[smem:$0x3FB3] =	sst s5  }
0xe: {  	[smem:$0x3FB4] =	sst s6  }
0xf: {  	[smem:$0x3FB5] =	sst s7  }
0x10: {  	[smem:$0x3FB6] =	sst s8  }
0x11: {  	[smem:$0x3FB7] =	sst s9;
	s0 =	simm.s32 @!p0 $0x0  }
0x12: {  	s1 =	sld [smem:$0x3F9D];
	s0 =	simm.s32 @p0 $0x1  }
0x13: {  	[smem:$0x3FB8] =	sst s0;
	s0 =	simm.s32 @!p1 $0x0  }
0x14: {  	s2 =	sld [smem:$0x3F9C];
	s0 =	simm.s32 @p1 $0x1  }
0x15: {  	[smem:$0x3FB9] =	sst s0;
	s0 =	simm.s32 @!p2 $0x0  }
0x16: {  	s3 =	sld [smem:$0x3FDB];
	s0 =	simm.s32 @p2 $0x1  }
0x17: {  	s4 =	simm.s32 $0x1BF5;
	[smem:$0x3FBB] =	sst s0  }
0x18: {  	s0 =	sld [smem:$0x3F9E];
	_ =	swait.ge [sflag:s4], $0x0  }
0x19: {  	s7 =	sld [smem:$0x3F9F]  }
0x1a: {  	s8 =	sadd.s32 $0xFFFFE003, lr  }
0x1b: {  	s9 =	sadd.s32 $0xFFFFFEF7, lr;
	s5 =	simm.s32 $0xFFFFFFFF;
	p2 =	slt.u32 s8, $0xFFFFF086  }
0x1c: {  	p1 =	slt.u32 s9, $0xF7A;
	s5 =	simm.s32 @!p2 $0x0  }
0x1d: {  	s5 =	simm.s32 @p1 $0x1;
	p0 =	seq.s32 s7, s2  }
0x1e: {  	s7 =	smul.u32 @!p0 $0xF7A, s2;
	p2 =	seq.s32 @!p0 s5, $0x0  }
0x1f: {  	s9 =	smul.u32 $0xF7A, s1;
	s8 =	simm.s32 @!p0 $0x1BF5;
	p2 =	por !p2, p0  }
0x20: {  	[sflag:s8] =	ssyncset.s32 @!p0 $0xFFFFF086;
	s6 =	sadd.s32 @!p0 s3, s7;
	s7 =	simm.s32 @!p0 $0x108  }
0x21: {  	s3 =	sadd.s32 s3, s9;
	s6 =	sadd.s32 @!p0 $0x88, s6;
	s7 =	simm.s32 @p2 $0x1082  }
0x22: {  	[simem:s7], [sflag:s8] =	dma.local @!p0 [hbm:s6], $0xF7A  }
0x23: {  	s9 =	sor.u32 $0xD0000000, s2;
	s6 =	simm.s32 $0x108;
	_ =	swait.ge @!p0 [sflag:s8], $0x0  }
0x24: {  	s3 =	sadd.s32 $0x88, s3;
	s6 =	simm.s32 @!p1 $0x1082;
	[sflag:s4] =	ssyncset.s32 $0xFFFFF086  }
0x25: {  	[simem:s6], [sflag:s4] =	dma.local [hbm:s3], $0xF7A  }
0x26: {  	[smem:$0x3F9F] =	sst s1;
	(tag) =	ssettag s2;
	_ =	strace s9  }
0x27: {  	s1 =	sld [smem:$0x3FAF]  }
0x28: {  	s2 =	sld [smem:$0x3FB0]  }
0x29: {  	s4 =	sld [smem:$0x3FB2]  }
0x2a: {  	p0 =	seq.s32 s5, $0x0;
	s5 =	sld [smem:$0x3FB3]  }
0x2b: {  	s6 =	sld [smem:$0x3FB4]  }
0x2c: {  	s7 =	sld [smem:$0x3FB5]  }
0x2d: {  	s3 =	simm.s32 $0x108;
	s8 =	sld [smem:$0x3FB6]  }
0x2e: {  	s3 =	simm.s32 @!p0 $0x1082;
	s9 =	sld [smem:$0x3FB7]  }
0x2f: {  	lr =	sadd.s32 s0, s3;
	s0 =	sld [smem:$0x3FAE]  }
0x30: {  	s3 =	sld [smem:$0x3FB1]  }
0x31: {  	[smem:$0x3FBA] =	sst s10  }
0x32: {  	s10 =	sld [smem:$0x3FB8];
	_ =	sdelay $0x3  }
0x33: {  	p0 =	seq.s32 s10, $0x1;
	s10 =	sld [smem:$0x3FBA];
	_ =	sdelay $0x3  }
0x34: {  	[smem:$0x3FBA] =	sst s10  }
0x35: {  	s10 =	sld [smem:$0x3FB9];
	_ =	sdelay $0x3  }
0x36: {  	p1 =	seq.s32 s10, $0x1;
	s10 =	sld [smem:$0x3FBA];
	_ =	sdelay $0x3  }
0x37: {  	[smem:$0x3FBA] =	sst s10  }
0x38: {  	s10 =	sld [smem:$0x3FBB]  }
0x39: {  	_ = 	snop;
	(pc) =	sbr.ind lr, $3  }
0x3a: {  	_ = 	snop  }
0x3b: {  	_ = 	snop  }
0x3c: {  	p2 =	seq.s32 s10, $0x1;
	s10 =	sld [smem:$0x3FBA]  }
0x3d: {  	_ =	shalt  }
0x3e: {  	_ =	shalt  }
0x3f: {  	_ =	shalt  }
0x40: {  	_ =	shalt  }
0x41: {  	_ =	shalt  }
0x42: {  	_ =	shalt  }
0x43: {  	_ =	shalt  }
0x44: {  	_ =	shalt  }
0x45: {  	_ =	shalt  }
0x46: {  	_ =	shalt  }
0x47: {  	_ =	shalt  }
0x48: {  	_ =	shalt  }
0x49: {  	_ =	shalt  }
0x4a: {  	_ =	shalt  }
0x4b: {  	_ =	shalt  }
0x4c: {  	_ =	shalt  }
0x4d: {  	_ =	shalt  }
0x4e: {  	_ =	shalt  }
0x4f: {  	_ =	shalt  }
0x50: {  	_ =	shalt  }
0x51: {  	_ =	shalt  }
0x52: {  	_ =	shalt  }
0x53: {  	_ =	shalt  }
0x54: {  	_ =	shalt  }
0x55: {  	_ =	shalt  }
0x56: {  	_ =	shalt  }
0x57: {  	_ =	shalt  }
0x58: {  	_ =	shalt  }
0x59: {  	_ =	shalt  }
0x5a: {  	_ =	shalt  }
0x5b: {  	_ =	shalt  }
0x5c: {  	_ =	shalt  }
0x5d: {  	_ =	shalt  }
0x5e: {  	_ =	shalt  }
0x5f: {  	_ =	shalt  }
0x60: {  	_ =	shalt  }
0x61: {  	_ =	shalt  }
0x62: {  	_ =	shalt  }
0x63: {  	_ =	shalt  }
0x64: {  	_ =	shalt  }
0x65: {  	_ =	shalt  }
0x66: {  	_ =	shalt  }
0x67: {  	_ =	shalt  }
0x68: {  	_ =	shalt  }
0x69: {  	_ =	shalt  }
0x6a: {  	_ =	shalt  }
0x6b: {  	_ =	shalt  }
0x6c: {  	_ =	shalt  }
0x6d: {  	_ =	shalt  }
0x6e: {  	_ =	shalt  }
0x6f: {  	_ =	shalt  }
0x70: {  	_ =	shalt  }
0x71: {  	_ =	shalt  }
0x72: {  	_ =	shalt  }
0x73: {  	_ =	shalt  }
0x74: {  	_ =	shalt  }
0x75: {  	_ =	shalt  }
0x76: {  	_ =	shalt  }
0x77: {  	_ =	shalt  }
0x78: {  	_ =	shalt  }
0x79: {  	_ =	shalt  }
0x7a: {  	_ =	shalt  }
0x7b: {  	_ =	shalt  }
0x7c: {  	_ =	shalt  }
0x7d: {  	_ =	shalt  }
0x7e: {  	_ =	shalt  }
0x7f: {  	_ =	shalt  }
0x80: {  	_ =	shalt  }
0x81: {  	_ =	shalt  }
0x82: {  	_ =	shalt  }
0x83: {  	_ =	shalt  }
0x84: {  	_ =	shalt  }
0x85: {  	_ =	shalt  }
0x86: {  	_ =	shalt  }
0x87: {  	_ =	shalt  }
.Lfunc_end0:
.L_simem_size_0:
called_computation_lowered:
.L_overlay_start_0:
0x88: {  	s2 =	sld [smem:$0x3FD9]  }
0x89: {  	s3 =	sld [smem:$0x3FFE];
	_ =	sdelay $0x1  }
0x8a: {  	s1 =	srdreg.scid  }
0x8b: {  	s0 =	sand.u32 $0x1, s1  }
0x8c: {  	s17 =	sshll.u32 s0, $0xA;
	s2 =	sadd.s32 s3, s2  }
0x8d: {  	s2 =	sadd.s32 s2, s17  }
0x8e: {  	[smem:$0x3FC6] =	sst s2  }
0x8f: {  	_ = 	snop  }
0x90: {  	s2 =	sld [smem:$0x3FD0];
	(tm) =	ssettm $0x1  }
0x91: {  	s18 =	sld [smem:$0x3FFB];
	_ =	sdelay $0x3  }
0x92: {  	_ =	strace s18  }
0x93: {  	s3 =	sld [smem:$0x3FFC];
	_ =	sdelay $0x3  }
0x94: {  	_ =	strace s3  }
0x95: {  	s3 =	sld [smem:$0x3FFD];
	_ =	sdelay $0x3  }
0x96: {  	_ =	strace s3  }
0x97: {  	_ =	strace $0x8FFFFFFF  }
0x98: {  	s19 =	sld [smem:$0x3FDB];
	_ =	sdelay $0x1  }
0x99: {  	s4 =	simm.s32 $_scs_section_size  }
0x9a: {  	s5 =	simm.s32 $_size__tile_overlayer_lowered;
	s6 =	simm.s32 $_tile_overlayer_lowered  }
0x9b: {  	s22 =	simm.s32 $0x1BFF;
	s21 =	sshll.u32 s6, $0x1;
	s3 =	sadd.s32 s4, s19  }
0x9c: {  	s7 =	simm.s32 $0x0;
	s20 =	sshll.u32 s5, $0x1;
	s5 =	sadd.s32 s21, s3  }
0x9d: {  	[timem:s7], [sflag:s22] =	dma.local [hbm:s5], s20  }
0x9e: {  	_ =	swait.ge [sflag:s22], s20  }
0x9f: {  	s4 =	ssub.s32 $0x0, s20;
	[sflag:s22] =	ssyncset.done $0x0  }
0xa0: {  	[sflag:s22] =	ssyncadd.s32 s4;
	_ =	sdelay $0x1  }
0xa1: {  	s23 =	simm.s32 $0x1B8B  }
0xa2: {  	_ =	swait.ge [sflag:s23], $0x1  }
0xa3: {  	[sflag:s23] =	ssyncset.done $0x0  }
0xa4: {  	s25 =	simm.s32 $0x1B8E;
	s24 =	sld [smem:$0x3FFE];
	[sflag:s23] =	ssyncadd.s32 $0xFFFFFFFF  }
0xa5: {  	s26 =	simm.s32 $execute0_lowered;
	[smem:$0x3FD2] =	sst s25  }
0xa6: {  	s5 =	sshll.u32 s26, $0x1;
	_ =	strace $0x80000046;
	[dreg:$0x1] =	wrdreg $0xFFFFFFFF  }
0xa7: {  	s28 =	simm.s32 $_size_execute0_lowered;
	s3 =	sadd.s32 s3, s5;
	[dreg:$0x0] =	wrdreg $0x0  }
0xa8: {  	s5 =	sshll.u32 s28, $0x1;
	[dreg:$0x2] =	wrdreg s3  }
0xa9: {  	[dreg:$0x3] =	wrdreg s5  }
0xaa: {  	[dreg:$0x4] =	wrdreg $0xC0  }
0xab: {  	_ =	task [dreg:s7], $0x5FFFF  }
0xac: {  	[dreg:$0x1] =	wrdreg $0xFFFFFFFF  }
0xad: {  	[dreg:$0x0] =	wrdreg $0x60  }
0xae: {  	[dreg:$0x2] =	wrdreg s2  }
0xaf: {  	[dreg:$0x3] =	wrdreg s24  }
0xb0: {  	[dreg:$0x4] =	wrdreg $0x191800  }
0xb1: {  	[dreg:$0x5] =	wrdreg $0x9  }
0xb2: {  	_ =	task.clear_ibuf [dreg:s7], $0x6FFFF;
	_ =	strace $0x90000046  }
0xb3: {  	s29 =	simm.s32 $0x9;
	_ =	strace $0x80000048  }
0xb4: {  	_ =	swait.ge [sflag:s29], $0x1  }
0xb5: {  	[sflag:s29] =	ssyncadd.s32 $0xFFFFFFFF  }
0xb6: {  	_ =	strace $0x90000048  }
0xb7: {  	_ =	sfence  }
0xb8: {  	s30 =	sld [smem:$0x0];
	_ =	sdelay $0x2  }
0xb9: {  	s31 =	sshll.u32 s1, $0xD;
	s1 =	sshrl.u32 s1, $0x2  }
0xba: {  	s3 =	sand.u32 $0x4000, s31;
	s1 =	sadd.s32 s1, s30  }
0xbb: {  	s0 =	sor.u32 s3, s0;
	s1 =	sshll.u32 s1, $0x11  }
0xbc: {  	s0 =	sor.u32 s1, s0  }
0xbd: {  	s0 =	sadd.s32 $0x8F2B, s0  }
0xbe: {  	[sflag:s0] =	ssyncadd.remote.s32 $0x1  }
0xbf: {  	_ =	sfence.sel $0xFFFF  }
0xc0: {  	[dreg:$0x0] =	wrdreg $0xFFFFFFFF;
	(pc) =	sbr.abs _section_cstart, $3  }
0xc1: {  	[dreg:$0x1] =	wrdreg $0xFFFFFFFF  }
0xc2: {  	_ =	task.clear_ibuf [dreg:s7], $0x2FFFF;
	_ =	strace $0x9FFFFFFF  }
0xc3: {  	(tm) =	ssettm $0x7FFFFFFF  }
tec
execute0_lowered:
.L_overlay_start_1:
0x0: {  	(tag) =	ssettag $0x1  }
0x1: {  	s0 =	rddreg [dreg:$0x0]  }
0x2: {  	s1 =	srdreg.scid;
	s2 =	rddreg [dreg:$0x1]  }
0x3: {  	s3 =	rddreg [dreg:$0x2];
	s6 =	stileid.u32  }
0x4: {  	s8 =	simm.s32 $0x0;
	s10 =	simm.s32 $0x1;
	s13 =	simm.s32 $0x18000  }
0x5: {  	s30 =	simm.s32 $0x80;
	s31 =	simm.s32 $0x400;
	s12 =	simm.s32 $0x18800  }
0x6: {  	s1 =	sand.u32 $0x1, s1;
	[smem:$0x7FF] =	sst s8;
	s5 =	sadd.s32 $0x600, s2  }
0x7: {  	s23 =	sadd.s32 $0xA00, s2;
	_ =	strace $0x80000047;
	[dreg:$0x4] =	wrdreg s5  }
0x8: {  	s24 =	sshll.u32 s6, $0xB;
	s4 =	sshll.u32 s1, $0x4;
	[dreg:$0x5] =	wrdreg s23  }
0x9: {  	s1 =	ssub.s32 $0x2, s1;
	s5 =	sand.u32 $0x4000, s24;
	s4 =	sor.u32 s6, s4  }
0xa: {  	s6 =	sshll.u32 s6, $0x7;
	s7 =	sshrl.u32 s1, $0x1;
	s25 =	sadd.s32 s5, s3  }
0xb: {  	s4 =	smul.u32 $0x3000, s4;
	s6 =	sand.u32 $0x380, s6;
	s1 =	ssub.s32 s1, s7  }
0xc: {  	s5 =	sor.u32 s5, s6;
	s6 =	sadd.s32 s6, s25;
	s29 =	smax.u32 s1, $0x1  }
0xd: {  	s2 =	sadd.s32 s4, s2;
	s0 =	sadd.s32 s0, s4;
	[dreg:$0x8] =	wrdreg s29  }
0xe: {  	v0 =	vimm.s32 $0x0;
	v1 =	vimm.s32 $0x1;
	s26 =	sxor.u32 $0x80, s5;
	[dreg:$0x6] =	wrdreg s0;
	s28 =	sadd.s32 $0xC00, s2  }
0xf: {  	v2 =	vlaneseq.u32;
	vm0 =	vcmask $0x300;
	v3 =	vimm.s32 $0x3F800000;
	s1 =	simm.s32 $0x0;
	s7 =	sadd.s32 s26, s3;
	[dreg:$0x7] =	wrdreg s28  }
.LBB2_1:
0x10: {  	[dreg:$0x9] =	wrdreg s1  }
0x11: {  	s0 =	rddreg [dreg:$0x6]  }
0x12: {  	[tilespmem:s8], [sflag:$0x1] =	stream.linear.gather [hbm4b:s0+s8], $0x18000, $0x38;
	[tilespmem:$0x19980] =	vst v63  }
0x13: {  	_ =	swait.ge [sflag:s10], $0x18000  }
0x14: {  	[sflag:s10] =	ssyncset.done $0x0  }
0x15: {  	s26 =	simm.s32 $0x19000;
	s25 =	rddreg [dreg:$0x4];
	[sflag:s10] =	ssyncadd.s32 $0xFFFE8000  }
0x16: {  	[tilespmem:s26], [sflag:$0x1] =	stream.linear.gather [hbm4b:s25+s8], $0x80, $0x38;
	[tilespmem:$0x19980] =	vst v63  }
0x17: {  	_ =	swait.ge [sflag:s10], $0x80  }
0x18: {  	[sflag:s10] =	ssyncset.done $0x0  }
0x19: {  	s29 =	simm.s32 $0x19080;
	s28 =	rddreg [dreg:$0x5];
	[sflag:s10] =	ssyncadd.s32 $0xFFFFFF80  }
0x1a: {  	[tilespmem:s29], [sflag:$0x1] =	stream.linear.gather [hbm4b:s28+s8], $0x80, $0x38;
	[tilespmem:$0x19980] =	vst v63  }
0x1b: {  	_ =	swait.ge [sflag:s10], $0x80  }
0x1c: {  	[sflag:s10] =	ssyncset.done $0x0  }
0x1d: {  	[sflag:s10] =	ssyncadd.s32 $0xFFFFFF80  }
0x1e: {  	s0 =	simm.s32 $0x18040;
	v5 =	vld [tilespmem:$0x19000]  }
0x1f: {  	v4 =	vld [tilespmem:$0x19080];
	[tilespmem:s0+$0xFFFFFFC0] =	vst v0  }
0x20: {  	[tilespmem:s0+$0x30] =	vst v0  }
0x21: {  	[tilespmem:s0+$0x20] =	vst v0  }
0x22: {  	[tilespmem:s0+$0x10] =	vst v0  }
0x23: {  	[tilespmem:s0+$0x0] =	vst v0  }
0x24: {  	[tilespmem:s0+$0xFFFFFFF0] =	vst v0  }
0x25: {  	s1 =	simm.s32 $0x0;
	[tilespmem:s0+$0xFFFFFFE0] =	vst v0  }
.LBB2_2:
0x26: {  	s1 =	sadd.s32 $0x8, s1;
	[tilespmem:s0+$0xFFFFFFD0] =	vst v0;
	s0 =	sadd.s32 $0x80, s0;
	s19 =	simm.s32 $0x40  }
0x27: {  	[tilespmem:s0+$0xFFFFFFC0] =	vst v0;
	p0 =	slt.u32 s1, $0x78  }
0x28: {  	[tilespmem:s0+$0x30] =	vst v0  }
.Ltmp0:
0x29: {  	[tilespmem:s0+$0x20] =	vst v0;
	(pc) =	sbr.rel @p0 .LBB2_2-.Ltmp0, $4  }
0x2a: {  	[tilespmem:s0+$0x10] =	vst v0  }
0x2b: {  	[tilespmem:s0+$0x0] =	vst v0  }
0x2c: {  	[tilespmem:s0+$0xFFFFFFF0] =	vst v0  }
0x2d: {  	[tilespmem:s0+$0xFFFFFFE0] =	vst v0  }
0x2e: {  	[tilespmem:s0+$0xFFFFFFD0] =	vst v0  }
0x2f: {  	v6 =	vld [tilespmem:s19+$0xFFFFFFC0];
	_ =	sdelay $0x1  }
0x30: {  	v10 =	vld [tilespmem:s19+$0x20]  }
0x31: {  	v9 =	vld [tilespmem:s19+$0xFFFFFFF0]  }
0x32: {  	v8 =	vld [tilespmem:s19+$0xFFFFFFD0]  }
0x33: {  	v12 =	vld [tilespmem:s19+$0xFFFFFFE0];
	v11 =	vshra.s32 v6, $0x1F  }
0x34: {  	v7 =	vld [tilespmem:s19+$0x0];
	v11 =	vand.u32 $0x7FFFFFFF, v11  }
0x35: {  	v16 =	vld [tilespmem:s19+$0x10];
	v15 =	vshra.s32 v10, $0x1F;
	v6 =	vxor.u32 v6, v11  }
0x36: {  	v14 =	vshra.s32 v9, $0x1F;
	v18 =	vand.u32 $0x7FFFFFFF, v15;
	v11 =	vshra.s32 v6, $0x15  }
0x37: {  	v19 =	vand.u32 $0x7FFFFFFF, v14;
	v17 =	vadd.s32 $0x400, v11;
	v11 =	vshra.s32 v8, $0x1F  }
0x38: {  	v15 =	vshra.s32 v12, $0x1F;
	v14 =	vand.u32 $0x7FFFFFFF, v11;
	v11 =	vxor.u32 v9, v19;
	v9 =	vld [tilespmem:s19+$0x30]  }
0x39: {  	v13 =	vshra.s32 v7, $0x1F;
	v15 =	vand.u32 $0x7FFFFFFF, v15  }
0x3a: {  	v10 =	vxor.u32 v10, v18;
	v15 =	vxor.u32 v12, v15;
	v19 =	vshra.s32 v16, $0x1F  }
0x3b: {  	[tilespmem:s19+$0xFFFFFFC0] =	vst v6;
	v6 =	vshra.s32 v15, $0x15;
	v12 =	vshra.s32 v11, $0x15;
	v19 =	vand.u32 $0x7FFFFFFF, v19  }
0x3c: {  	s0 =	simm.s32 $0x0;
	s1 =	simm.s32 $0xC0;
	v6 =	vadd.s32 $0x400, v6;
	v12 =	vadd.s32 $0x400, v12;
	v16 =	vxor.u32 v16, v19;
	[tilespmem:v17+s13+$0x0] =	vst.idx.add.s32.msk $0xffff, v1  }
.LBB2_4:
0x3d: {  	v17 =	vld [tilespmem:s1+$0xFFFFFFC0];
	s0 =	sadd.s32 $0x8, s0;
	[tilespmem:s19+$0xFFFFFFE0] =	vst v15;
	v13 =	vand.u32 $0x7FFFFFFF, v13;
	v15 =	vshra.s32 v16, $0x15;
	v18 =	vshra.s32 v9, $0x1F  }
0x3e: {  	v8 =	vxor.u32 v8, v14;
	v19 =	vld [tilespmem:s1+$0x20];
	p0 =	slt.u32 s0, $0x17F8;
	v13 =	vxor.u32 v7, v13;
	[tilespmem:s19+$0x10] =	vst v16;
	v7 =	vand.u32 $0x7FFFFFFF, v18  }
0x3f: {  	v14 =	vshra.s32 v8, $0x15;
	v18 =	vshra.s32 v10, $0x15;
	v16 =	vld [tilespmem:s1+$0xFFFFFFF0];
	[tilespmem:s19+$0xFFFFFFF0] =	vst v11;
	v11 =	vshra.s32 v13, $0x15  }
0x40: {  	v14 =	vadd.s32 $0x400, v14;
	v20 =	vld [tilespmem:s1+$0xFFFFFFE0];
	[tilespmem:s19+$0xFFFFFFD0] =	vst v8;
	v21 =	vadd.s32 $0x400, v11;
	v11 =	vadd.s32 $0x400, v18  }
0x41: {  	v9 =	vxor.u32 v9, v7;
	[tilespmem:v12+s13+$0x0] =	vst.idx.add.s32.msk $0xffff, v1;
	v12 =	vadd.s32 $0x400, v15  }
0x42: {  	v7 =	vld [tilespmem:s1+$0x0];
	[tilespmem:s19+$0x0] =	vst v13;
	v13 =	vshra.s32 v9, $0x15  }
0x43: {  	v15 =	vshra.s32 v17, $0x1F;
	v8 =	vld [tilespmem:s1+$0xFFFFFFD0];
	[tilespmem:s19+$0x20] =	vst v10;
	v10 =	vadd.s32 $0x400, v13  }
0x44: {  	v13 =	vand.u32 $0x7FFFFFFF, v15;
	v18 =	vld [tilespmem:s1+$0x10];
	[tilespmem:s19+$0x30] =	vst v9;
	s19 =	smov.u32 s1  }
0x45: {  	v9 =	vxor.u32 v17, v13;
	[tilespmem:v14+s13+$0x0] =	vst.idx.add.s32.msk $0xffff, v1  }
0x46: {  	v15 =	vshra.s32 v19, $0x1F;
	v13 =	vshra.s32 v9, $0x15;
	v14 =	vshra.s32 v16, $0x1F;
	[tilespmem:s1+$0xFFFFFFC0] =	vst v9;
	v9 =	vld [tilespmem:s1+$0x30]  }
0x47: {  	v22 =	vand.u32 $0x7FFFFFFF, v15;
	v17 =	vadd.s32 $0x400, v13;
	v13 =	vshra.s32 v7, $0x1F;
	[tilespmem:v12+s13+$0x0] =	vst.idx.add.s32.msk $0xffff, v1  }
.Ltmp1:
0x48: {  	v15 =	vshra.s32 v20, $0x1F;
	v23 =	vand.u32 $0x7FFFFFFF, v14;
	v12 =	vshra.s32 v8, $0x1F;
	[tilespmem:v11+s13+$0x0] =	vst.idx.add.s32.msk $0xffff, v1;
	(pc) =	sbr.rel @p0 .LBB2_4-.Ltmp1, $4  }
0x49: {  	v11 =	vxor.u32 v16, v23;
	v14 =	vand.u32 $0x7FFFFFFF, v12;
	v12 =	vand.u32 $0x7FFFFFFF, v15;
	[tilespmem:v10+s13+$0x0] =	vst.idx.add.s32.msk $0xffff, v1  }
0x4a: {  	v10 =	vshra.s32 v11, $0x15;
	v16 =	vshra.s32 v18, $0x1F;
	v15 =	vxor.u32 v20, v12;
	[tilespmem:v21+s13+$0x0] =	vst.idx.add.s32.msk $0xffff, v1  }
0x4b: {  	v12 =	vadd.s32 $0x400, v10;
	v10 =	vand.u32 $0x7FFFFFFF, v16;
	v20 =	vshra.s32 v15, $0x15;
	[tilespmem:v6+s13+$0x0] =	vst.idx.add.s32.msk $0xffff, v1  }
0x4c: {  	s1 =	sadd.s32 $0x80, s1;
	v16 =	vxor.u32 v18, v10;
	v10 =	vxor.u32 v19, v22;
	[tilespmem:v17+s13+$0x0] =	vst.idx.add.s32.msk $0xffff, v1;
	v6 =	vadd.s32 $0x400, v20  }
0x4d: {  	(v2sf) =	vpush v5, $0x0;
	[tilespmem:s19+$0xFFFFFFE0] =	vst v15  }
0x4e: {  	[tilespmem:s19+$0x10] =	vst v16  }
0x4f: {  	v13 =	vand.u32 $0x7FFFFFFF, v13;
	[tilespmem:s19+$0xFFFFFFF0] =	vst v11  }
0x50: {  	v8 =	vxor.u32 v8, v14;
	v55 =	vshra.s32 v16, $0x15;
	v56 =	vshra.s32 v9, $0x1F;
	[tilespmem:s19+$0x20] =	vst v10  }
0x51: {  	v58 =	vshra.s32 v10, $0x15;
	v57 =	vshra.s32 v8, $0x15;
	[tilespmem:s19+$0xFFFFFFD0] =	vst v8;
	v59 =	vadd.s32 $0x400, v55  }
0x52: {  	v7 =	vxor.u32 v7, v13;
	v11 =	vand.u32 $0x7FFFFFFF, v56;
	[tilespmem:v12+s13+$0x0] =	vst.idx.add.s32.msk $0xffff, v1;
	v8 =	vadd.s32 $0x400, v57  }
0x53: {  	v9 =	vxor.u32 v9, v11;
	v11 =	vadd.s32 $0x400, v58;
	[tilespmem:s19+$0x0] =	vst v7;
	v7 =	vshra.s32 v7, $0x15  }
0x54: {  	[tilespmem:v6+s13+$0x0] =	vst.idx.add.s32.msk $0xffff, v1;
	v60 =	vshra.s32 v9, $0x15;
	v7 =	vadd.s32 $0x400, v7  }
0x55: {  	[tilespmem:s19+$0x30] =	vst v9;
	v10 =	vadd.s32 $0x400, v60  }
0x56: {  	[tilespmem:v59+s13+$0x0] =	vst.idx.add.s32.msk $0xffff, v1  }
0x57: {  	[tilespmem:v8+s13+$0x0] =	vst.idx.add.s32.msk $0xffff, v1  }
0x58: {  	[tilespmem:v11+s13+$0x0] =	vst.idx.add.s32.msk $0xffff, v1  }
0x59: {  	[tilespmem:v7+s13+$0x0] =	vst.idx.add.s32.msk $0xffff, v1  }
0x5a: {  	[tilespmem:v10+s13+$0x0] =	vst.idx.add.s32.msk $0xffff, v1  }
0x5b: {  	[spmem:s6] =	stream.strided.scatter [tilespmem:s13], [sflag:$0x1], $0x800, s31, s30, $0x38;
	[tilespmem:$0x19980] =	vst v63  }
0x5c: {  	s1 =	spop (v2sf)  }
0x5d: {  	_ =	swait.ge [sflag:s10], $0x800  }
0x5e: {  	[sflag:s10] =	ssyncset.done $0x0  }
0x5f: {  	[sflag:s10] =	ssyncadd.s32 $0xFFFFF800  }
0x60: {  	[bflag:$0x0] =	sbarrier.arrive $0xFFFF  }
0x61: {  	[tilespmem:s12], [sflag:$0x1] =	stream.strided.gather [spmem:s7], $0x800, s31, s30, $0x38;
	[tilespmem:$0x19980] =	vst v63  }
0x62: {  	_ =	swait.ge [sflag:s10], $0x800  }
0x63: {  	[sflag:s10] =	ssyncset.done $0x0  }
0x64: {  	[sflag:s10] =	ssyncadd.s32 $0xFFFFF800  }
0x65: {  	s0 =	simm.s32 $0x0;
	[bflag:$0x0] =	sbarrier.arrive $0xFFFF  }
0x66: {  	v6 =	vld [tilespmem:s0+$0x18000]  }
0x67: {  	v7 =	vld [tilespmem:s0+$0x18800];
	_ =	sdelay $0x1  }
0x68: {  	s21 =	simm.s32 $0x10  }
0x69: {  	v8 =	vld [tilespmem:s21+$0x18000]  }
0x6a: {  	v9 =	vld [tilespmem:s21+$0x18800]  }
0x6b: {  	v6 =	vadd.s32 v6, v7  }
0x6c: {  	(xrf0) =	vadd.scan.msk.s32 $0xffff, v6;
	_ =	sdelay $0x2  }
0x6d: {  	v6 =	vadd.s32 v8, v9  }
0x6e: {  	(xrf0) =	vadd.scan.msk.s32 $0xffff, v6;
	_ =	sdelay $0x1  }
0x6f: {  	v7, _, _ =	vpop (xrf0)  }
0x70: {  	(v2sf) =	vpush v7, $0xF;
	_ =	sdelay $0x2  }
0x71: {  	s22 =	simm.s32 $0x20;
	v8, _, _ =	vpop (xrf0)  }
0x72: {  	v9 =	vld [tilespmem:s22+$0x18800];
	(v2sf) =	vpush v8, $0xF  }
0x73: {  	s23 =	simm.s32 $0x30;
	v6 =	vld [tilespmem:s22+$0x18000]  }
0x74: {  	v10 =	vld [tilespmem:s23+$0x18000]  }
0x75: {  	s24 =	simm.s32 $0x40;
	v11 =	vld [tilespmem:s23+$0x18800]  }
0x76: {  	v61 =	vld [tilespmem:s24+$0x18000]  }
0x77: {  	v62 =	vld [tilespmem:s24+$0x18800]  }
0x78: {  	v6 =	vadd.s32 v6, v9  }
0x79: {  	(xrf0) =	vadd.scan.msk.s32 $0xffff, v6  }
0x7a: {  	s20 =	sadd.s32 $0x1, s1;
	s21 =	simm.s32 $0x0;
	v6 =	vadd.s32 v10, v11  }
0x7b: {  	v7 =	vadd.s32 s21, v7;
	(xrf0) =	vadd.scan.msk.s32 $0xffff, v6;
	v6 =	vmov s20  }
0x7c: {  	v9 =	vadd.s32 v61, v62;
	vm1 =	vlt.s32 v7, v6  }
0x7d: {  	v7 =	vmpcnt.ones.xlane vm1;
	s26 =	spop (v2sf)  }
0x7e: {  	s2 =	sadd.s32 $0x0, s26  }
0x7f: {  	(xrf0) =	vadd.scan.msk.s32 $0xffff, v9;
	v9, _, _ =	vpop (xrf0);
	v8 =	vadd.s32 s2, v8  }
0x80: {  	(v2sf) =	vpush v9, $0xF;
	vm1 =	vlt.s32 v8, v6  }
0x81: {  	s28 =	spop (v2sf);
	(v2sf) =	vpush v7, $0x0;
	v7, _, _ =	vpop (xrf0);
	v8 =	vmpcnt.ones.xlane vm1  }
0x82: {  	(v2sf) =	vpush v7, $0xF  }
0x83: {  	(v2sf) =	vpush v8, $0x0;
	_ =	sdelay $0x2  }
0x84: {  	s25 =	simm.s32 $0x50;
	v8, _, _ =	vpop (xrf0)  }
0x85: {  	v10 =	vld [tilespmem:s25+$0x18000];
	(v2sf) =	vpush v8, $0xF  }
0x86: {  	v11 =	vld [tilespmem:s25+$0x18800];
	_ =	sdelay $0x1  }
0x87: {  	p0 =	por $0x1, $0x1  }
0x88: {  	s29 =	simm.s32 $0x60;
	s0 =	simm.s32 $0x0;
	p1 =	sge.s32 s2, s20  }
0x89: {  	[dreg:$0xa] =	wrdreg s1;
	s22 =	simm.s32 $0x0;
	s0 =	smov.u32 @p1 s0  }
0x8a: {  	s24 =	simm.s32 $0x0;
	v11 =	vadd.s32 v10, v11;
	v10 =	vld [tilespmem:s29+$0x18800];
	s1 =	sadd.s32 s2, s28;
	s22 =	smov.u32 @p0 s0  }
0x8b: {  	(xrf0) =	vadd.scan.msk.s32 $0xffff, v11;
	v63 =	vadd.s32 s1, v9;
	s24 =	simm.s32 @p1 $0x1;
	v9 =	vld [tilespmem:s29+$0x18000];
	p0 =	sge.s32 s1, s20;
	s3 =	smov.u32 s22  }
0x8c: {  	vm1 =	vlt.s32 v63, v6;
	p1 =	seq.s32 s24, $0x0;
	s3 =	smov.u32 @p0 s2  }
0x8d: {  	s0 =	smov.u32 s1;
	v11 =	vmpcnt.ones.xlane vm1;
	s2 =	simm.s32 $0x1C0;
	s22 =	smov.u32 @p1 s3  }
.LBB2_6:
0x8e: {  	s3 =	sshra.s32 s2, $0x2;
	p1 =	sne.s32 s2, $0x1FC0  }
.Ltmp2:
0x8f: {  	s2 =	sadd.s32 $0x40, s2;
	s4 =	spop (v2sf);
	(v2sf) =	vpush v11, $0x0;
	(pc) =	sbr.rel @p1 .LBB2_6-.Ltmp2, $4  }
0x90: {  	v11 =	vadd.s32 v9, v10;
	v9 =	vld [tilespmem:s3+$0x18000];
	s1 =	sadd.s32 s1, s4  }
0x91: {  	s24 =	simm.s32 @p0 $0x1;
	v10 =	vld [tilespmem:s3+$0x18800];
	(xrf0) =	vadd.scan.msk.s32 $0xffff, v11;
	v11 =	vadd.s32 s1, v7;
	p0 =	sge.s32 s1, s20;
	v7 =	vmov v8;
	v8, _, _ =	vpop (xrf0);
	s3 =	smov.u32 s22  }
0x92: {  	p2 =	seq.s32 s24, $0x0;
	(v2sf) =	vpush v8, $0xF;
	vm1 =	vlt.s32 v11, v6;
	s3 =	smov.u32 @p0 s0;
	s0 =	spop (v2sf)  }
0x93: {  	v11 =	vmpcnt.ones.xlane vm1;
	s22 =	smov.u32 @p2 s3;
	s21 =	sadd.s32 s21, s0;
	s0 =	smov.u32 s1  }
0x94: {  	_ =	sdelay $0x2  }
0x95: {  	(v2sf) =	vpush v11, $0x0;
	v11, _, _ =	vpop (xrf0)  }
0x96: {  	(v2sf) =	vpush v11, $0xF;
	_ =	sdelay $0x7  }
0x97: {  	s2 =	spop (v2sf)  }
0x98: {  	s1 =	sadd.s32 s1, s2;
	v9 =	vadd.s32 v9, v10  }
0x99: {  	s3 =	spop (v2sf);
	v7 =	vadd.s32 s1, v7;
	(xrf0) =	vadd.scan.msk.s32 $0xffff, v9  }
0x9a: {  	s18 =	spop (v2sf);
	vm1 =	vlt.s32 v7, v6  }
0x9b: {  	v7 =	vmpcnt.ones.xlane vm1;
	s4 =	spop (v2sf)  }
0x9c: {  	s5 =	spop (v2sf)  }
0x9d: {  	s2 =	sadd.s32 s1, s18;
	s8 =	spop (v2sf)  }
0x9e: {  	v8 =	vadd.s32 s2, v8;
	s5 =	sadd.s32 s2, s5;
	s9 =	spop (v2sf)  }
0x9f: {  	vm1 =	vlt.s32 v8, v6;
	(v2sf) =	vpush v7, $0x0;
	v7, _, _ =	vpop (xrf0);
	v8 =	vadd.s32 s5, v11;
	s9 =	sadd.s32 s5, s9  }
0xa0: {  	v9 =	vmpcnt.ones.xlane vm1;
	vm1 =	vlt.s32 v8, v6;
	v8 =	vadd.s32 s9, v7  }
0xa1: {  	(v2sf) =	vpush v7, $0xF;
	v7 =	vmpcnt.ones.xlane vm1;
	vm1 =	vlt.s32 v8, v6  }
0xa2: {  	(v2sf) =	vpush v9, $0x0;
	v8 =	vmpcnt.ones.xlane vm1  }
0xa3: {  	(v2sf) =	vpush v7, $0x0  }
0xa4: {  	(v2sf) =	vpush v8, $0x0;
	_ =	sdelay $0x1  }
0xa5: {  	s24 =	simm.s32 @p0 $0x1;
	s11 =	smov.u32 s22;
	p1 =	sge.s32 s1, s20  }
0xa6: {  	p0 =	seq.s32 s24, $0x0;
	s11 =	smov.u32 @p1 s0  }
0xa7: {  	s22 =	smov.u32 @p0 s11  }
0xa8: {  	s24 =	simm.s32 @p1 $0x1;
	p0 =	sge.s32 s2, s20;
	s0 =	smov.u32 s22  }
0xa9: {  	p1 =	seq.s32 s24, $0x0;
	s0 =	smov.u32 @p0 s1  }
0xaa: {  	s19 =	sadd.s32 s21, s3;
	s22 =	smov.u32 @p1 s0  }
0xab: {  	s24 =	simm.s32 @p0 $0x1;
	s0 =	smov.u32 s22;
	p1 =	sge.s32 s5, s20  }
0xac: {  	p0 =	seq.s32 s24, $0x0;
	s1 =	sadd.s32 s19, s4;
	s0 =	smov.u32 @p1 s2  }
0xad: {  	s24 =	simm.s32 @p1 $0x1;
	s22 =	smov.u32 @p0 s0;
	s1 =	sadd.s32 s1, s8  }
0xae: {  	s2 =	smov.u32 s22;
	s21 =	spop (v2sf);
	p0 =	sge.s32 s9, s20  }
0xaf: {  	p1 =	seq.s32 s24, $0x0;
	s2 =	smov.u32 @p0 s5;
	s23 =	spop (v2sf)  }
0xb0: {  	s0 =	sadd.s32 s1, s21;
	s24 =	simm.s32 @p0 $0x1;
	s25 =	spop (v2sf)  }
0xb1: {  	s22 =	smov.u32 @p1 s2;
	s0 =	sadd.s32 s0, s25;
	s26 =	spop (v2sf)  }
0xb2: {  	s29 =	sadd.s32 s9, s23;
	s0 =	sadd.s32 s0, s26;
	s28 =	spop (v2sf)  }
0xb3: {  	p1 =	sge.s32 s29, s20;
	s23 =	sadd.s32 s0, s28;
	s0 =	smov.u32 s22  }
0xb4: {  	p0 =	seq.s32 s24, $0x0;
	s1 =	sand.u32 $0xFFFFFFF0, s23;
	s0 =	smov.u32 @p1 s9  }
0xb5: {  	v7 =	vld [tilespmem:s1+$0x18000];
	s22 =	smov.u32 @p0 s0;
	s0 =	simm.s32 $0x18040  }
0xb6: {  	v8 =	vld [tilespmem:s1+$0x18800];
	[tilespmem:s0+$0xFFFFFFC0] =	vst v0  }
0xb7: {  	[tilespmem:s0+$0x30] =	vst v0  }
0xb8: {  	[tilespmem:s0+$0x20] =	vst v0  }
0xb9: {  	[tilespmem:s0+$0x10] =	vst v0  }
0xba: {  	[tilespmem:s0+$0x0] =	vst v0  }
0xbb: {  	[tilespmem:s0+$0xFFFFFFF0] =	vst v0  }
0xbc: {  	s1 =	simm.s32 $0x0;
	[tilespmem:s0+$0xFFFFFFE0] =	vst v0  }
.LBB2_8:
0xbd: {  	s1 =	sadd.s32 $0x8, s1;
	[tilespmem:s0+$0xFFFFFFD0] =	vst v0;
	s0 =	sadd.s32 $0x80, s0  }
0xbe: {  	[tilespmem:s0+$0xFFFFFFC0] =	vst v0;
	p0 =	slt.u32 s1, $0x78  }
0xbf: {  	[tilespmem:s0+$0x30] =	vst v0  }
.Ltmp3:
0xc0: {  	[tilespmem:s0+$0x20] =	vst v0;
	(pc) =	sbr.rel @p0 .LBB2_8-.Ltmp3, $4  }
0xc1: {  	[tilespmem:s0+$0x10] =	vst v0  }
0xc2: {  	[tilespmem:s0+$0x0] =	vst v0  }
0xc3: {  	[tilespmem:s0+$0xFFFFFFF0] =	vst v0  }
0xc4: {  	[tilespmem:s0+$0xFFFFFFE0] =	vst v0  }
0xc5: {  	[tilespmem:s0+$0xFFFFFFD0] =	vst v0;
	s29 =	simm.s32 $0x40  }
0xc6: {  	v10 =	vld [tilespmem:s29+$0xFFFFFFC0]  }
0xc7: {  	v12 =	vld [tilespmem:s29+$0xFFFFFFE0];
	_ =	sdelay $0x2  }
0xc8: {  	s21 =	sadd.s32 $0xFFFFFC00, s23;
	v14 =	vld [tilespmem:s29+$0xFFFFFFF0]  }
0xc9: {  	v9 =	vmov s21;
	v16 =	vld [tilespmem:s29+$0x20];
	v11 =	vshra.s32 v10, $0x15  }
0xca: {  	v10 =	vshrl.u32 v10, $0xA;
	v13 =	vshra.s32 v12, $0x15;
	vm4 =	veq.s32 v11, v9  }
0xcb: {  	v18 =	vld [tilespmem:s29+$0x30];
	v12 =	vshrl.u32 v12, $0xA;
	v17 =	vand.u32 $0x7FF, v10;
	vm3 =	veq.s32 v13, v9  }
0xcc: {  	v10 =	vld [tilespmem:s29+$0xFFFFFFD0];
	v13 =	vand.u32 $0x7FF, v12;
	_ =	sdelay $0x1  }
0xcd: {  	v19 =	vshra.s32 v16, $0x15;
	v11 =	vshrl.u32 v14, $0xA;
	v12 =	vshra.s32 v14, $0x15;
	v14 =	vld [tilespmem:s29+$0x10]  }
0xce: {  	v15 =	vld [tilespmem:s29+$0x0];
	vm2 =	veq.s32 v19, v9;
	vm1 =	veq.s32 v12, v9;
	v12 =	vshrl.u32 v16, $0xA  }
0xcf: {  	s0 =	simm.s32 $0x0;
	s1 =	simm.s32 $0xC0;
	v16 =	vshrl.u32 v18, $0xA;
	v12 =	vand.u32 $0x7FF, v12;
	[tilespmem:v17+s13+$0x0] =	vst.idx.add.s32.msk vm4, v1;
	v17 =	vshra.s32 v18, $0x15  }
.LBB2_10:
0xd0: {  	s0 =	sadd.s32 $0x8, s0;
	v18 =	vshra.s32 v10, $0x15;
	[tilespmem:v13+s13+$0x0] =	vst.idx.add.s32.msk vm3, v1;
	vm4 =	veq.s32 v17, v9  }
0xd1: {  	v10 =	vshrl.u32 v10, $0xA;
	v13 =	vand.u32 $0x7FF, v11;
	v17 =	vld [tilespmem:s1+$0xFFFFFFF0];
	p0 =	slt.u32 s0, $0x17F8;
	vm5 =	veq.s32 v18, v9  }
0xd2: {  	v16 =	vand.u32 $0x7FF, v16;
	v19 =	vand.u32 $0x7FF, v10;
	v18 =	vld [tilespmem:s1+$0xFFFFFFE0];
	v10 =	vshra.s32 v14, $0x15  }
0xd3: {  	v20 =	vld [tilespmem:s1+$0xFFFFFFC0];
	v11 =	vshra.s32 v15, $0x15;
	vm6 =	veq.s32 v10, v9;
	v10 =	vshrl.u32 v14, $0xA  }
0xd4: {  	v21 =	vld [tilespmem:s1+$0x30];
	vm7 =	veq.s32 v11, v9;
	v11 =	vshrl.u32 v15, $0xA;
	v14 =	vand.u32 $0x7FF, v10  }
0xd5: {  	v22 =	vld [tilespmem:s1+$0x20];
	v15 =	vand.u32 $0x7FF, v11  }
0xd6: {  	v10 =	vld [tilespmem:s1+$0xFFFFFFD0];
	v11 =	vshrl.u32 v17, $0xA  }
0xd7: {  	[tilespmem:v13+s13+$0x0] =	vst.idx.add.s32.msk vm1, v1  }
0xd8: {  	v23 =	vshra.s32 v18, $0x15;
	v18 =	vshrl.u32 v18, $0xA;
	v13 =	vshra.s32 v20, $0x15;
	[tilespmem:v12+s13+$0x0] =	vst.idx.add.s32.msk vm2, v1  }
0xd9: {  	v12 =	vshrl.u32 v20, $0xA;
	vm3 =	veq.s32 v23, v9;
	vm8 =	veq.s32 v13, v9;
	[tilespmem:v14+s13+$0x0] =	vst.idx.add.s32.msk vm6, v1  }
0xda: {  	v12 =	vand.u32 $0x7FF, v12;
	v13 =	vand.u32 $0x7FF, v18;
	[tilespmem:v15+s13+$0x0] =	vst.idx.add.s32.msk vm7, v1  }
.Ltmp4:
0xdb: {  	v14 =	vshra.s32 v17, $0x15;
	[tilespmem:v16+s13+$0x0] =	vst.idx.add.s32.msk vm4, v1;
	(pc) =	sbr.rel @p0 .LBB2_10-.Ltmp4, $4  }
0xdc: {  	vm1 =	veq.s32 v14, v9;
	[tilespmem:v19+s13+$0x0] =	vst.idx.add.s32.msk vm5, v1  }
0xdd: {  	v16 =	vshra.s32 v22, $0x15;
	v14 =	vld [tilespmem:s1+$0x10]  }
0xde: {  	vm2 =	veq.s32 v16, v9;
	v16 =	vshrl.u32 v22, $0xA;
	v15 =	vld [tilespmem:s1+$0x0]  }
0xdf: {  	v17 =	vshra.s32 v21, $0x15;
	s1 =	sadd.s32 $0x80, s1;
	[tilespmem:v12+s13+$0x0] =	vst.idx.add.s32.msk vm8, v1;
	v12 =	vand.u32 $0x7FF, v16;
	v16 =	vshrl.u32 v21, $0xA  }
0xe0: {  	s0 =	sand.u32 $0xF, s23  }
0xe1: {  	v18 =	vmov s0  }
0xe2: {  	v7 =	vadd.s32 v7, v8;
	vm4 =	vgt.u32 v18, v2  }
0xe3: {  	v7 =	vnsel vm4, $0x0, v7  }
0xe4: {  	(xrf0) =	vadd.scan.msk.s32 $0xffff, v7;
	_ =	sdelay $0x5  }
0xe5: {  	v7, _, _ =	vpop (xrf0)  }
0xe6: {  	(v2sf) =	vpush v7, $0xF;
	_ =	sdelay $0x1  }
0xe7: {  	vm6 =	veq.s32 v17, v9;
	v8 =	vshra.s32 v14, $0x15  }
0xe8: {  	vm15 =	veq.s32 v8, v9;
	v8 =	vshrl.u32 v14, $0xA;
	v14 =	vshra.s32 v10, $0x15  }
0xe9: {  	v8 =	vand.u32 $0x7FF, v8;
	v7 =	vand.u32 $0x7FF, v11;
	v11 =	vshra.s32 v15, $0x15  }
0xea: {  	[tilespmem:v13+s13+$0x0] =	vst.idx.add.s32.msk vm3, v1;
	vm3 =	veq.s32 v14, v9;
	vm5 =	veq.s32 v11, v9  }
0xeb: {  	v11 =	vshrl.u32 v15, $0xA;
	v9 =	vshrl.u32 v10, $0xA;
	v10 =	vand.u32 $0x7FF, v16  }
0xec: {  	v11 =	vand.u32 $0x7FF, v11  }
0xed: {  	[tilespmem:v12+s13+$0x0] =	vst.idx.add.s32.msk vm2, v1;
	v9 =	vand.u32 $0x7FF, v9  }
0xee: {  	[tilespmem:v8+s13+$0x0] =	vst.idx.add.s32.msk vm15, v1  }
0xef: {  	[tilespmem:v7+s13+$0x0] =	vst.idx.add.s32.msk vm1, v1  }
0xf0: {  	[tilespmem:v10+s13+$0x0] =	vst.idx.add.s32.msk vm6, v1  }
0xf1: {  	[tilespmem:v11+s13+$0x0] =	vst.idx.add.s32.msk vm5, v1  }
0xf2: {  	[tilespmem:v9+s13+$0x0] =	vst.idx.add.s32.msk vm3, v1  }
0xf3: {  	[spmem:s6] =	stream.strided.scatter [tilespmem:s13], [sflag:$0x1], $0x800, s31, s30, $0x38;
	[tilespmem:$0x19980] =	vst v63  }
0xf4: {  	s9 =	spop (v2sf)  }
0xf5: {  	_ =	swait.ge [sflag:s10], $0x800  }
0xf6: {  	[sflag:s10] =	ssyncset.done $0x0  }
0xf7: {  	[sflag:s10] =	ssyncadd.s32 $0xFFFFF800  }
0xf8: {  	[bflag:$0x0] =	sbarrier.arrive $0xFFFF  }
0xf9: {  	[tilespmem:s12], [sflag:$0x1] =	stream.strided.gather [spmem:s7], $0x800, s31, s30, $0x38;
	[tilespmem:$0x19980] =	vst v63  }
0xfa: {  	_ =	swait.ge [sflag:s10], $0x800  }
0xfb: {  	[sflag:s10] =	ssyncset.done $0x0  }
0xfc: {  	[sflag:s10] =	ssyncadd.s32 $0xFFFFF800  }
0xfd: {  	s1 =	simm.s32 $0x0;
	[bflag:$0x0] =	sbarrier.arrive $0xFFFF  }
0xfe: {  	v7 =	vld [tilespmem:s1+$0x18000]  }
0xff: {  	v8 =	vld [tilespmem:s1+$0x18800];
	_ =	sdelay $0x2  }
0x100: {  	s11 =	simm.s32 $0x10  }
0x101: {  	v9 =	vld [tilespmem:s11+$0x18000]  }
0x102: {  	s12 =	simm.s32 $0x20;
	v7 =	vadd.s32 v7, v8;
	v8 =	vld [tilespmem:s11+$0x18800]  }
0x103: {  	v10 =	vld [tilespmem:s12+$0x18800]  }
0x104: {  	(xrf0) =	vadd.scan.msk.s32 $0xffff, v7;
	v7 =	vld [tilespmem:s12+$0x18000];
	_ =	sdelay $0x2  }
0x105: {  	v8 =	vadd.s32 v9, v8;
	_ =	sdelay $0x1  }
0x106: {  	(xrf0) =	vadd.scan.msk.s32 $0xffff, v8;
	v7 =	vadd.s32 v7, v10  }
0x107: {  	v8, _, _ =	vpop (xrf0);
	(xrf0) =	vadd.scan.msk.s32 $0xffff, v7  }
0x108: {  	(v2sf) =	vpush v8, $0xF;
	_ =	sdelay $0x3  }
0x109: {  	s14 =	simm.s32 $0x30;
	v9, _, _ =	vpop (xrf0)  }
0x10a: {  	v11 =	vld [tilespmem:s14+$0x18800];
	(v2sf) =	vpush v9, $0xF;
	v10, _, _ =	vpop (xrf0)  }
0x10b: {  	s15 =	simm.s32 $0x40;
	v7 =	vld [tilespmem:s14+$0x18000];
	(v2sf) =	vpush v10, $0xF  }
0x10c: {  	v12 =	vld [tilespmem:s15+$0x18000]  }
0x10d: {  	s16 =	simm.s32 $0x50;
	v13 =	vld [tilespmem:s15+$0x18800]  }
0x10e: {  	v14 =	vld [tilespmem:s16+$0x18000]  }
0x10f: {  	v15 =	vld [tilespmem:s16+$0x18800]  }
0x110: {  	v7 =	vadd.s32 v7, v11  }
0x111: {  	s22 =	sadd.s32 s22, s9;
	(xrf0) =	vadd.scan.msk.s32 $0xffff, v7  }
0x112: {  	s18 =	sadd.s32 $0x0, s22;
	v7 =	vadd.s32 v12, v13  }
0x113: {  	v8 =	vadd.s32 s18, v8;
	(xrf0) =	vadd.scan.msk.s32 $0xffff, v7  }
0x114: {  	vm1 =	vlt.s32 v8, v6;
	v7 =	vadd.s32 v14, v15;
	s17 =	spop (v2sf)  }
0x115: {  	v8 =	vmpcnt.ones.xlane vm1;
	s0 =	sadd.s32 $0x0, s17  }
0x116: {  	s4 =	sadd.s32 s22, s0  }
0x117: {  	(xrf0) =	vadd.scan.msk.s32 $0xffff, v7;
	v7, _, _ =	vpop (xrf0);
	s2 =	sadd.s32 s18, s17;
	v9 =	vadd.s32 s4, v9  }
0x118: {  	p1 =	por $0x1, $0x1;
	(v2sf) =	vpush v7, $0xF;
	p0 =	sge.s32 s2, s20;
	s2 =	simm.s32 $0x0;
	vm1 =	vlt.s32 v9, v6  }
0x119: {  	s23 =	simm.s32 $0x0;
	s2 =	smov.u32 @p0 s2;
	s19 =	spop (v2sf);
	(v2sf) =	vpush v8, $0x0;
	v8, _, _ =	vpop (xrf0);
	v9 =	vmpcnt.ones.xlane vm1  }
0x11a: {  	s23 =	smov.u32 @p1 s2;
	s2 =	spop (v2sf);
	(v2sf) =	vpush v8, $0xF  }
0x11b: {  	(v2sf) =	vpush v9, $0x0;
	_ =	sdelay $0x2  }
0x11c: {  	s3 =	simm.s32 $0x60  }
0x11d: {  	v11 =	vld [tilespmem:s3+$0x18000];
	v9, _, _ =	vpop (xrf0)  }
0x11e: {  	v12 =	vld [tilespmem:s3+$0x18800];
	(v2sf) =	vpush v9, $0xF  }
0x11f: {  	s25 =	simm.s32 $0x0  }
0x120: {  	s29 =	simm.s32 $0x70;
	s25 =	simm.s32 @p0 $0x1;
	s24 =	sadd.s32 s4, s19  }
0x121: {  	s3 =	smov.u32 s23;
	s1 =	sadd.s32 s0, s19;
	p1 =	sge.s32 s24, s20  }
0x122: {  	p0 =	seq.s32 s25, $0x0;
	s26 =	sadd.s32 s22, s1;
	s3 =	smov.u32 @p1 s0  }
0x123: {  	v12 =	vadd.s32 v11, v12;
	v11 =	vld [tilespmem:s29+$0x18800];
	s28 =	sadd.s32 s26, s2;
	s23 =	smov.u32 @p0 s3  }
0x124: {  	(xrf0) =	vadd.scan.msk.s32 $0xffff, v12;
	v13 =	vadd.s32 s26, v10;
	s25 =	simm.s32 @p1 $0x1;
	v10 =	vld [tilespmem:s29+$0x18000];
	p0 =	sge.s32 s28, s20;
	s5 =	smov.u32 s23  }
0x125: {  	vm1 =	vlt.s32 v13, v6;
	p1 =	seq.s32 s25, $0x0;
	s5 =	smov.u32 @p0 s1  }
0x126: {  	s0 =	simm.s32 $0x0;
	s3 =	simm.s32 $0x200;
	v12 =	vmpcnt.ones.xlane vm1;
	s23 =	smov.u32 @p1 s5  }
.LBB2_12:
0x127: {  	s4 =	sshra.s32 s3, $0x2  }
0x128: {  	s1 =	sadd.s32 s1, s2;
	s2 =	spop (v2sf);
	p1 =	sne.s32 s3, $0x1FC0;
	(v2sf) =	vpush v12, $0x0  }
.Ltmp5:
0x129: {  	s3 =	sadd.s32 $0x40, s3;
	v12 =	vadd.s32 v10, v11;
	s5 =	sadd.s32 s22, s1;
	v10 =	vld [tilespmem:s4+$0x18000];
	(pc) =	sbr.rel @p1 .LBB2_12-.Ltmp5, $4  }
0x12a: {  	s25 =	simm.s32 @p0 $0x1;
	v11 =	vld [tilespmem:s4+$0x18800];
	(xrf0) =	vadd.scan.msk.s32 $0xffff, v12;
	v12 =	vadd.s32 s5, v7;
	s4 =	sadd.s32 s5, s2;
	v7 =	vmov v8;
	v8 =	vmov v9;
	v9, _, _ =	vpop (xrf0)  }
0x12b: {  	s5 =	smov.u32 s23;
	(v2sf) =	vpush v9, $0xF;
	vm1 =	vlt.s32 v12, v6;
	p0 =	sge.s32 s4, s20;
	s4 =	spop (v2sf)  }
0x12c: {  	p2 =	seq.s32 s25, $0x0;
	v12 =	vmpcnt.ones.xlane vm1;
	s5 =	smov.u32 @p0 s1;
	s0 =	sadd.s32 s0, s4  }
0x12d: {  	s23 =	smov.u32 @p2 s5  }
0x12e: {  	_ =	sdelay $0x1  }
0x12f: {  	(v2sf) =	vpush v12, $0x0;
	v63, _, _ =	vpop (xrf0)  }
0x130: {  	(v2sf) =	vpush v63, $0xF;
	_ =	sdelay $0x8  }
0x131: {  	s3 =	spop (v2sf);
	s2 =	sadd.s32 s1, s2  }
0x132: {  	v10 =	vadd.s32 v10, v11;
	s4 =	sadd.s32 s22, s2;
	s5 =	spop (v2sf)  }
0x133: {  	(xrf0) =	vadd.scan.msk.s32 $0xffff, v10;
	v7 =	vadd.s32 s4, v7;
	s8 =	spop (v2sf)  }
0x134: {  	s11 =	sadd.s32 s2, s3;
	vm1 =	vlt.s32 v7, v6;
	s9 =	spop (v2sf)  }
0x135: {  	s14 =	sadd.s32 s22, s11;
	s15 =	sadd.s32 s11, s8;
	v7 =	vmpcnt.ones.xlane vm1;
	s12 =	spop (v2sf)  }
0x136: {  	v8 =	vadd.s32 s14, v8;
	s17 =	sadd.s32 s22, s15;
	s16 =	spop (v2sf)  }
0x137: {  	vm1 =	vlt.s32 v8, v6;
	v8 =	vadd.s32 s17, v9;
	s26 =	sadd.s32 s15, s12;
	s24 =	spop (v2sf)  }
0x138: {  	v9 =	vmpcnt.ones.xlane vm1;
	vm1 =	vlt.s32 v8, v6;
	s28 =	sadd.s32 s22, s26;
	s1 =	sadd.s32 s26, s24  }
0x139: {  	(v2sf) =	vpush v7, $0x0;
	v10 =	vmpcnt.ones.xlane vm1;
	v7, _, _ =	vpop (xrf0);
	v8 =	vadd.s32 s28, v63;
	s29 =	sadd.s32 s22, s1  }
0x13a: {  	(v2sf) =	vpush v7, $0xF;
	vm1 =	vlt.s32 v8, v6;
	v7 =	vadd.s32 s29, v7  }
0x13b: {  	(v2sf) =	vpush v9, $0x0;
	v8 =	vmpcnt.ones.xlane vm1;
	vm1 =	vlt.s32 v7, v6  }
0x13c: {  	(v2sf) =	vpush v10, $0x0;
	v7 =	vmpcnt.ones.xlane vm1  }
0x13d: {  	(v2sf) =	vpush v8, $0x0  }
0x13e: {  	s3 =	sadd.s32 s4, s3;
	(v2sf) =	vpush v7, $0x0  }
0x13f: {  	s25 =	simm.s32 @p0 $0x1;
	p1 =	sge.s32 s3, s20;
	s3 =	smov.u32 s23  }
0x140: {  	p0 =	seq.s32 s25, $0x0;
	s3 =	smov.u32 @p1 s2  }
0x141: {  	s8 =	sadd.s32 s14, s8;
	s23 =	smov.u32 @p0 s3  }
0x142: {  	p2 =	sge.s32 s8, s20;
	s25 =	simm.s32 @p1 $0x1;
	s2 =	smov.u32 s23  }
0x143: {  	p0 =	seq.s32 s25, $0x0;
	s2 =	smov.u32 @p2 s11  }
0x144: {  	s0 =	sadd.s32 s0, s5;
	s23 =	smov.u32 @p0 s2;
	s14 =	sadd.s32 s17, s12  }
0x145: {  	s25 =	simm.s32 @p2 $0x1;
	s2 =	smov.u32 s23;
	p0 =	sge.s32 s14, s20  }
0x146: {  	p1 =	seq.s32 s25, $0x0;
	s0 =	sadd.s32 s0, s9;
	s2 =	smov.u32 @p0 s15  }
0x147: {  	s25 =	simm.s32 @p0 $0x1;
	s0 =	sadd.s32 s0, s16;
	s23 =	smov.u32 @p1 s2  }
0x148: {  	p0 =	seq.s32 s25, $0x0;
	s16 =	sadd.s32 s28, s24;
	s15 =	spop (v2sf)  }
0x149: {  	s2 =	smov.u32 s23;
	p1 =	sge.s32 s16, s20;
	s17 =	spop (v2sf)  }
0x14a: {  	s2 =	smov.u32 @p1 s26;
	s0 =	sadd.s32 s0, s15;
	s18 =	spop (v2sf)  }
0x14b: {  	s25 =	simm.s32 @p1 $0x1;
	s0 =	sadd.s32 s0, s18;
	s19 =	spop (v2sf)  }
0x14c: {  	s23 =	smov.u32 @p0 s2;
	s0 =	sadd.s32 s0, s19;
	s24 =	spop (v2sf)  }
0x14d: {  	s28 =	sadd.s32 s29, s17;
	s0 =	sadd.s32 s0, s24;
	s26 =	spop (v2sf)  }
0x14e: {  	p0 =	sge.s32 s28, s20;
	s24 =	sadd.s32 s0, s26;
	s0 =	smov.u32 s23  }
0x14f: {  	p1 =	seq.s32 s25, $0x0;
	s29 =	sand.u32 $0xFFFFFFF0, s24;
	s0 =	smov.u32 @p0 s1  }
0x150: {  	v8 =	vld [tilespmem:s29+$0x18000];
	s23 =	smov.u32 @p1 s0;
	s0 =	simm.s32 $0x18040  }
0x151: {  	v9 =	vld [tilespmem:s29+$0x18800];
	[tilespmem:s0+$0xFFFFFFC0] =	vst v0  }
0x152: {  	[tilespmem:s0+$0x30] =	vst v0  }
0x153: {  	[tilespmem:s0+$0x20] =	vst v0  }
0x154: {  	[tilespmem:s0+$0x10] =	vst v0  }
0x155: {  	[tilespmem:s0+$0x0] =	vst v0  }
0x156: {  	[tilespmem:s0+$0xFFFFFFF0] =	vst v0  }
0x157: {  	s1 =	simm.s32 $0x0;
	[tilespmem:s0+$0xFFFFFFE0] =	vst v0  }
.LBB2_14:
0x158: {  	s1 =	sadd.s32 $0x8, s1;
	[tilespmem:s0+$0xFFFFFFD0] =	vst v0;
	s0 =	sadd.s32 $0x80, s0  }
0x159: {  	[tilespmem:s0+$0xFFFFFFC0] =	vst v0;
	p0 =	slt.u32 s1, $0x78  }
0x15a: {  	[tilespmem:s0+$0x30] =	vst v0  }
.Ltmp6:
0x15b: {  	[tilespmem:s0+$0x20] =	vst v0;
	(pc) =	sbr.rel @p0 .LBB2_14-.Ltmp6, $4  }
0x15c: {  	[tilespmem:s0+$0x10] =	vst v0  }
0x15d: {  	[tilespmem:s0+$0x0] =	vst v0  }
0x15e: {  	[tilespmem:s0+$0xFFFFFFF0] =	vst v0  }
0x15f: {  	[tilespmem:s0+$0xFFFFFFE0] =	vst v0  }
0x160: {  	s28 =	sshll.u32 s21, $0xB  }
0x161: {  	[tilespmem:s0+$0xFFFFFFD0] =	vst v0;
	s0 =	sor.u32 s28, s24  }
0x162: {  	s29 =	simm.s32 $0x40;
	[dreg:$0xb] =	wrdreg s0  }
0x163: {  	v11 =	vld [tilespmem:s29+$0xFFFFFFC0];
	_ =	sdelay $0x2  }
0x164: {  	v12 =	vld [tilespmem:s29+$0xFFFFFFD0]  }
0x165: {  	v10 =	vimm.s32 $0x7FFFFFFF  }
0x166: {  	v7 =	vmov s0;
	v13 =	vshra.s32 v11, $0xA;
	vm1 =	vlt.s32 v10, v11  }
0x167: {  	v15 =	vld [tilespmem:s29+$0xFFFFFFE0];
	vm2 =	vgt.s32 v13, v7;
	v14 =	vsel vm1, v10, v11  }
0x168: {  	v10 =	vsel vm2, v14, v10  }
0x169: {  	v14 =	vshra.s32 v12, $0xA;
	vm1 =	vlt.s32 v10, v12  }
0x16a: {  	v17 =	vld [tilespmem:s29+$0xFFFFFFF0];
	vm2 =	vgt.s32 v14, v7;
	v16 =	vsel vm1, v10, v12  }
0x16b: {  	v10 =	vsel vm2, v16, v10  }
0x16c: {  	v18 =	vand.u32 $0x3FF, v11;
	v16 =	vshra.s32 v15, $0xA;
	vm1 =	vlt.s32 v10, v15  }
0x16d: {  	v19 =	vld [tilespmem:s29+$0x0];
	vm2 =	vgt.s32 v16, v7;
	v11 =	vsel vm1, v10, v15;
	vm1 =	veq.s32 v13, v7  }
0x16e: {  	v12 =	vand.u32 $0x3FF, v12;
	v10 =	vsel vm2, v11, v10;
	vm2 =	veq.s32 v14, v7  }
0x16f: {  	vm4 =	veq.s32 v16, v7;
	v11 =	vshra.s32 v17, $0xA;
	vm3 =	vlt.s32 v10, v17  }
0x170: {  	v16 =	vld [tilespmem:s29+$0x10];
	v15 =	vand.u32 $0x3FF, v15;
	vm5 =	vgt.s32 v11, v7;
	v13 =	vsel vm3, v10, v17  }
0x171: {  	v10 =	vsel vm5, v13, v10  }
0x172: {  	vm5 =	veq.s32 v11, v7;
	v13 =	vshra.s32 v19, $0xA;
	v11 =	vld [tilespmem:s29+$0x20];
	vm3 =	vlt.s32 v10, v19  }
0x173: {  	v17 =	vand.u32 $0x3FF, v17;
	v14 =	vsel vm3, v10, v19;
	vm3 =	vgt.s32 v13, v7;
	[tilespmem:v18+s13+$0x0] =	vst.idx.add.s32.msk vm1, v1  }
0x174: {  	v18 =	vsel vm3, v14, v10;
	[tilespmem:v12+s13+$0x0] =	vst.idx.add.s32.msk vm2, v1;
	vm2 =	veq.s32 v13, v7  }
0x175: {  	[tilespmem:v15+s13+$0x0] =	vst.idx.add.s32.msk vm4, v1;
	v10 =	vshra.s32 v16, $0xA;
	v14 =	vand.u32 $0x3FF, v19;
	vm1 =	vlt.s32 v18, v16  }
0x176: {  	vm4 =	vgt.s32 v10, v7;
	vm3 =	veq.s32 v10, v7;
	v10 =	vld [tilespmem:s29+$0x30];
	v12 =	vsel vm1, v18, v16  }
0x177: {  	v15 =	vand.u32 $0x3FF, v16;
	v12 =	vsel vm4, v12, v18  }
0x178: {  	s1 =	simm.s32 $0xC0;
	s0 =	simm.s32 $0x0;
	v13 =	vshra.s32 v11, $0xA;
	v16 =	vand.u32 $0x3FF, v11;
	[tilespmem:v17+s13+$0x0] =	vst.idx.add.s32.msk vm5, v1;
	vm1 =	vlt.s32 v12, v11  }
.LBB2_16:
0x179: {  	v17 =	vld [tilespmem:s1+$0xFFFFFFC0];
	s0 =	sadd.s32 $0x8, s0;
	vm4 =	veq.s32 v13, v7;
	vm5 =	vgt.s32 v13, v7;
	v11 =	vsel vm1, v12, v11  }
0x17a: {  	p0 =	slt.u32 s0, $0x17F8;
	[tilespmem:v14+s13+$0x0] =	vst.idx.add.s32.msk vm2, v1;
	v11 =	vsel vm5, v11, v12  }
0x17b: {  	v12 =	vshra.s32 v10, $0xA;
	v13 =	vand.u32 $0x3FF, v10;
	vm1 =	vlt.s32 v11, v10  }
0x17c: {  	v14 =	vld [tilespmem:s1+$0xFFFFFFD0];
	vm2 =	veq.s32 v12, v7;
	vm5 =	vgt.s32 v12, v7;
	v10 =	vsel vm1, v11, v10  }
0x17d: {  	[tilespmem:v15+s13+$0x0] =	vst.idx.add.s32.msk vm3, v1;
	v10 =	vsel vm5, v10, v11  }
0x17e: {  	v11 =	vshra.s32 v17, $0xA;
	v12 =	vand.u32 $0x3FF, v17;
	vm1 =	vlt.s32 v10, v17  }
0x17f: {  	vm3 =	veq.s32 v11, v7;
	vm5 =	vgt.s32 v11, v7;
	v11 =	vsel vm1, v10, v17;
	v15 =	vld [tilespmem:s1+$0xFFFFFFE0]  }
0x180: {  	v10 =	vsel vm5, v11, v10;
	[tilespmem:v16+s13+$0x0] =	vst.idx.add.s32.msk vm4, v1  }
0x181: {  	v11 =	vshra.s32 v14, $0xA;
	v16 =	vand.u32 $0x3FF, v14;
	vm1 =	vlt.s32 v10, v14  }
0x182: {  	vm4 =	veq.s32 v11, v7;
	vm5 =	vgt.s32 v11, v7;
	v11 =	vsel vm1, v10, v14;
	v14 =	vld [tilespmem:s1+$0xFFFFFFF0]  }
0x183: {  	v10 =	vsel vm5, v11, v10;
	[tilespmem:v13+s13+$0x0] =	vst.idx.add.s32.msk vm2, v1  }
0x184: {  	v11 =	vshra.s32 v15, $0xA;
	v13 =	vand.u32 $0x3FF, v15;
	vm1 =	vlt.s32 v10, v15  }
0x185: {  	vm5 =	veq.s32 v11, v7;
	vm2 =	vgt.s32 v11, v7;
	v11 =	vsel vm1, v10, v15;
	v15 =	vld [tilespmem:s1+$0x0]  }
0x186: {  	[tilespmem:v12+s13+$0x0] =	vst.idx.add.s32.msk vm3, v1;
	v10 =	vsel vm2, v11, v10  }
0x187: {  	v11 =	vshra.s32 v14, $0xA;
	v12 =	vand.u32 $0x3FF, v14;
	vm1 =	vlt.s32 v10, v14  }
0x188: {  	vm6 =	veq.s32 v11, v7;
	vm2 =	vgt.s32 v11, v7;
	v11 =	vsel vm1, v10, v14;
	v17 =	vld [tilespmem:s1+$0x10]  }
0x189: {  	[tilespmem:v16+s13+$0x0] =	vst.idx.add.s32.msk vm4, v1;
	v10 =	vsel vm2, v11, v10  }
0x18a: {  	v11 =	vshra.s32 v15, $0xA;
	v14 =	vand.u32 $0x3FF, v15;
	vm1 =	vlt.s32 v10, v15  }
0x18b: {  	vm2 =	veq.s32 v11, v7;
	vm3 =	vgt.s32 v11, v7;
	v15 =	vsel vm1, v10, v15;
	v11 =	vld [tilespmem:s1+$0x20]  }
.Ltmp7:
0x18c: {  	[tilespmem:v13+s13+$0x0] =	vst.idx.add.s32.msk vm5, v1;
	v13 =	vsel vm3, v15, v10;
	(pc) =	sbr.rel @p0 .LBB2_16-.Ltmp7, $4  }
0x18d: {  	v10 =	vshra.s32 v17, $0xA;
	v15 =	vand.u32 $0x3FF, v17;
	vm1 =	vlt.s32 v13, v17  }
0x18e: {  	vm3 =	veq.s32 v10, v7;
	vm4 =	vgt.s32 v10, v7;
	v16 =	vsel vm1, v13, v17;
	v10 =	vld [tilespmem:s1+$0x30]  }
0x18f: {  	[tilespmem:v12+s13+$0x0] =	vst.idx.add.s32.msk vm6, v1;
	v12 =	vsel vm4, v16, v13  }
0x190: {  	s1 =	sadd.s32 $0x80, s1;
	v13 =	vshra.s32 v11, $0xA;
	v16 =	vand.u32 $0x3FF, v11;
	vm1 =	vlt.s32 v12, v11  }
0x191: {  	s0 =	sand.u32 $0xF, s24  }
0x192: {  	v17 =	vmov s0  }
0x193: {  	v8 =	vadd.s32 v8, v9;
	vm4 =	vgt.u32 v17, v2  }
0x194: {  	v8 =	vnsel vm4, $0x0, v8  }
0x195: {  	(xrf0) =	vadd.scan.msk.s32 $0xffff, v8;
	_ =	sdelay $0x5  }
0x196: {  	v8, _, _ =	vpop (xrf0)  }
0x197: {  	(v2sf) =	vpush v8, $0xF;
	_ =	sdelay $0x5  }
0x198: {  	vm15 =	veq.s32 v13, v7;
	v51 =	vshra.s32 v10, $0xA  }
0x199: {  	vm5 =	veq.s32 v51, v7  }
0x19a: {  	v8 =	vand.u32 $0x3FF, v10;
	_ =	sdelay $0x1  }
0x19b: {  	[tilespmem:v14+s13+$0x0] =	vst.idx.add.s32.msk vm2, v1  }
0x19c: {  	[tilespmem:v15+s13+$0x0] =	vst.idx.add.s32.msk vm3, v1  }
0x19d: {  	[tilespmem:v16+s13+$0x0] =	vst.idx.add.s32.msk vm15, v1  }
0x19e: {  	s1 =	simm.s32 $0x18000;
	[tilespmem:v8+s13+$0x0] =	vst.idx.add.s32.msk vm5, v1  }
0x19f: {  	[spmem:s6] =	stream.strided.scatter [tilespmem:s1], [sflag:$0x1], $0x800, s31, s30, $0x38;
	[tilespmem:$0x19980] =	vst v63  }
0x1a0: {  	s26 =	spop (v2sf)  }
0x1a1: {  	_ =	swait.ge [sflag:s10], $0x800  }
0x1a2: {  	[sflag:s10] =	ssyncset.done $0x0  }
0x1a3: {  	[sflag:s10] =	ssyncadd.s32 $0xFFFFF800  }
0x1a4: {  	s2 =	simm.s32 $0x18800;
	[bflag:$0x0] =	sbarrier.arrive $0xFFFF  }
0x1a5: {  	[tilespmem:s2], [sflag:$0x1] =	stream.strided.gather [spmem:s7], $0x800, s31, s30, $0x38;
	[tilespmem:$0x19980] =	vst v63  }
0x1a6: {  	_ =	swait.ge [sflag:s10], $0x800  }
0x1a7: {  	[sflag:s10] =	ssyncset.done $0x0  }
0x1a8: {  	[sflag:s10] =	ssyncadd.s32 $0xFFFFF800  }
0x1a9: {  	[bflag:$0x0] =	sbarrier.arrive $0xFFFF  }
0x1aa: {  	v8 =	vld [tilespmem:s1+$0x0]  }
0x1ab: {  	v9 =	vld [tilespmem:s2+$0x0];
	_ =	sdelay $0x2  }
0x1ac: {  	s2 =	simm.s32 $0x18010  }
0x1ad: {  	s3 =	simm.s32 $0x18810;
	v14 =	vld [tilespmem:s2+$0x0]  }
0x1ae: {  	v9 =	vadd.s32 v8, v9;
	v8 =	vld [tilespmem:s3+$0x0];
	_ =	sdelay $0x1  }
0x1af: {  	(xrf0) =	vadd.scan.msk.s32 $0xffff, v9;
	_ =	sdelay $0x2  }
0x1b0: {  	v14 =	vadd.s32 v14, v8  }
0x1b1: {  	(xrf0) =	vadd.scan.msk.s32 $0xffff, v14;
	_ =	sdelay $0x1  }
0x1b2: {  	v15, _, _ =	vpop (xrf0)  }
0x1b3: {  	(v2sf) =	vpush v15, $0xF  }
0x1b4: {  	s4 =	simm.s32 $0x18020  }
0x1b5: {  	s5 =	simm.s32 $0x18820;
	v52 =	vld [tilespmem:s4+$0x0]  }
0x1b6: {  	v18 =	vld [tilespmem:s5+$0x0];
	v19, _, _ =	vpop (xrf0)  }
0x1b7: {  	s18 =	smov.u32 s7;
	s7 =	sadd.s32 s22, s23;
	(v2sf) =	vpush v19, $0xF  }
0x1b8: {  	s22 =	sadd.s32 s26, s7  }
0x1b9: {  	s1 =	sadd.s32 $0x0, s22  }
0x1ba: {  	s25 =	simm.s32 $0x0;
	v20 =	vsub.s32 s1, v9;
	v8 =	vmul.u32 $0xFFFFFFFF, v2  }
0x1bb: {  	v21 =	vmov s25;
	v16 =	vadd.s32 v52, v18;
	v53 =	vadd.s32 v15, v20  }
0x1bc: {  	vm2 =	vgt.s32 v9, $0x0;
	v9 =	vsub.s32 v8, v21;
	vm3 =	vge.s32 v53, v6  }
0x1bd: {  	v9 =	vxor.u32 $0x80000000, v9;
	vm2 =	vmand vm2, vm3;
	(xrf0) =	vadd.scan.msk.s32 $0xffff, v16  }
0x1be: {  	v9 =	vnsel vm2, $0x1, v9  }
0x1bf: {  	(xrf0) =	vmax.scan.msk.u32 $0xffff, v9  }
0x1c0: {  	s9 =	simm.s32 $0x18830  }
0x1c1: {  	s8 =	simm.s32 $0x18030;
	v55 =	vld [tilespmem:s9+$0x0]  }
0x1c2: {  	v9 =	vld [tilespmem:s8+$0x0];
	s11 =	spop (v2sf)  }
0x1c3: {  	v15 =	vadd.s32 s1, v15;
	v54, _, _ =	vpop (xrf0);
	s0 =	sadd.s32 $0x0, s11  }
0x1c4: {  	v11 =	vsel vm1, v12, v11;
	s5 =	simm.s32 $0x10;
	vm2 =	vlt.s32 v15, v6;
	(v2sf) =	vpush v54, $0xF;
	s4 =	sadd.s32 s22, s0  }
0x1c5: {  	s12 =	simm.s32 $0x18840;
	v23 =	vmov s5;
	v15 =	vmpcnt.ones.xlane vm2;
	v56, _, _ =	vpop (xrf0);
	v57 =	vsub.s32 s4, v14  }
0x1c6: {  	v58 =	vld [tilespmem:s12+$0x0];
	s3 =	simm.s32 $0x18040;
	vm2 =	vgt.s32 v14, $0x0;
	(v2sf) =	vpush v56, $0xF;
	v14 =	vadd.s32 v19, v57;
	s14 =	spop (v2sf)  }
0x1c7: {  	v22 =	vld [tilespmem:s3+$0x0];
	(v2sf) =	vpush v15, $0x0;
	v15 =	vadd.s32 v9, v55;
	vm3 =	vge.s32 v14, v6;
	s3 =	sadd.s32 s0, s14  }
0x1c8: {  	(xrf0) =	vadd.scan.msk.s32 $0xffff, v15;
	v14 =	vsub.s32 v8, v23;
	vm2 =	vmand vm2, vm3;
	vm3 =	vgt.s32 v13, v7;
	s8 =	sadd.s32 s22, s3  }
0x1c9: {  	s9 =	simm.s32 $0x20;
	v9 =	vxor.u32 $0x80000000, v14;
	v11 =	vsel vm3, v11, v12;
	v12 =	vsub.s32 s8, v16  }
0x1ca: {  	v13 =	vmov s9;
	v9 =	vnsel vm2, $0x1, v9;
	v12 =	vadd.s32 v54, v12  }
0x1cb: {  	vm1 =	vgt.s32 v16, $0x0;
	v13 =	vsub.s32 v8, v13;
	(xrf0) =	vmax.scan.msk.u32 $0xffff, v9;
	vm2 =	vge.s32 v12, v6  }
0x1cc: {  	v9 =	vadd.s32 v22, v58;
	v12 =	vxor.u32 $0x80000000, v13;
	vm1 =	vmand vm1, vm2  }
0x1cd: {  	(xrf0) =	vadd.scan.msk.s32 $0xffff, v9;
	v12 =	vnsel vm1, $0x1, v12  }
0x1ce: {  	p1 =	por $0x1, $0x1;
	s15 =	simm.s32 $0x30;
	s16 =	simm.s32 $0x18050;
	v14, _, _ =	vpop (xrf0);
	(xrf0) =	vmax.scan.msk.u32 $0xffff, v12  }
0x1cf: {  	s24 =	simm.s32 $0x0;
	s23 =	simm.s32 $0x0;
	s1 =	sadd.s32 s1, s11;
	(v2sf) =	vpush v14, $0xF;
	vm2 =	vgt.s32 v51, v7;
	v7 =	vadd.s32 s4, v19  }
0x1d0: {  	s31 =	simm.s32 $0x18850;
	p0 =	sge.s32 s1, s20;
	s1 =	simm.s32 $0x0;
	vm1 =	vlt.s32 v7, v6  }
0x1d1: {  	s26 =	simm.s32 $0x7FFFFFFF;
	s1 =	smov.u32 @p0 s1;
	s24 =	simm.s32 @p0 $0x1;
	vm3 =	vlt.s32 v11, v10;
	v60 =	vmpcnt.ones.xlane vm1;
	v12, _, _ =	vpop (xrf0)  }
0x1d2: {  	s23 =	smov.u32 @p1 s1;
	p1 =	seq.s32 s24, $0x0;
	s5 =	sadd.s32 s4, s14;
	v10 =	vsel vm3, v11, v10;
	v7 =	vadd.s32 s8, v54;
	(v2sf) =	vpush v12, $0xF  }
0x1d3: {  	v59 =	vld [tilespmem:s31+$0x0];
	s1 =	smov.u32 s23;
	p0 =	sge.s32 s5, s20;
	s17 =	spop (v2sf);
	vm1 =	vlt.s32 v7, v6;
	v7 =	vsel vm2, v10, v11;
	v11, _, _ =	vpop (xrf0);
	(v2sf) =	vpush v60, $0x0  }
0x1d4: {  	s1 =	smov.u32 @p0 s0;
	s0 =	simm.s32 $0x50;
	s24 =	simm.s32 @p0 $0x1;
	v13 =	vld [tilespmem:s16+$0x0];
	(v2sf) =	vpush v11, $0xF;
	v63, _, _ =	vpop (xrf0)  }
0x1d5: {  	s23 =	smov.u32 @p1 s1;
	s28 =	sadd.s32 s3, s17;
	s19 =	spop (v2sf);
	(v2sf) =	vpush v63, $0xF  }
0x1d6: {  	v61 =	vmov s15;
	s1 =	simm.s32 $0x60;
	p1 =	seq.s32 s24, $0x0;
	s29 =	sadd.s32 s22, s28;
	v10 =	vmpcnt.ones.xlane vm1  }
0x1d7: {  	s2 =	smov.u32 s23;
	s4 =	simm.s32 $0x40;
	s5 =	sadd.s32 s8, s17;
	vm1 =	vgt.s32 v15, $0x0;
	v62 =	vadd.s32 s29, v14;
	v15 =	vsub.s32 s29, v15  }
0x1d8: {  	p0 =	sge.s32 s5, s20;
	s21 =	sxor.u32 $0x7FFFFFFF, s19;
	s5 =	spop (v2sf);
	vm2 =	vlt.s32 v62, v6;
	v14 =	vadd.s32 v14, v15;
	v15 =	vsub.s32 v8, v61  }
0x1d9: {  	s2 =	smov.u32 @p0 s3;
	s24 =	simm.s32 @p0 $0x1;
	s30 =	sadd.s32 $0x1, s21;
	v12 =	vadd.s32 v13, v59;
	v13 =	vmpcnt.ones.xlane vm2;
	vm2 =	vge.s32 v14, v6  }
0x1da: {  	s3 =	simm.s32 $0x18060;
	s23 =	smov.u32 @p1 s2;
	p0 =	sgt.s32 s30, $0x7FFFFFFF;
	v14 =	vxor.u32 $0x80000000, v15;
	(xrf0) =	vadd.scan.msk.s32 $0xffff, v12;
	vm1 =	vmand vm1, vm2  }
.LBB2_18:
0x1db: {  	s2 =	smov.u32 s26;
	s26 =	smov.u32 s30  }
0x1dc: {  	s31 =	sadd.s32 $0x10, s31;
	v14 =	vnsel vm1, $0x1, v14;
	s25 =	sadd.s32 s25, s5;
	v15 =	vld [tilespmem:s3+$0x0];
	s26 =	smov.u32 @p0 s2  }
0x1dd: {  	p1 =	sne.s32 s1, $0x7F0;
	s2 =	smov.u32 s1;
	s1 =	sadd.s32 $0x10, s1;
	v16 =	vld [tilespmem:s31+$0x0];
	(xrf0) =	vmax.scan.msk.u32 $0xffff, v14  }
0x1de: {  	s8 =	smov.u32 s28;
	s5 =	spop (v2sf);
	(v2sf) =	vpush v10, $0x0;
	v10 =	vmov v13  }
0x1df: {  	v14 =	vmov s4;
	s4 =	smov.u32 s23;
	s9 =	sadd.s32 s29, s5;
	s28 =	sadd.s32 s28, s5  }
.Ltmp8:
0x1e0: {  	vm1 =	vgt.s32 v9, $0x0;
	v13, _, _ =	vpop (xrf0);
	s29 =	sadd.s32 s22, s28;
	p0 =	sge.s32 s9, s20;
	(pc) =	sbr.rel @p1 .LBB2_18-.Ltmp8, $4  }
0x1e1: {  	p2 =	seq.s32 s24, $0x0;
	(v2sf) =	vpush v13, $0xF;
	v17 =	vadd.s32 s29, v11;
	v18 =	vsub.s32 s29, v9;
	s4 =	smov.u32 @p0 s8;
	s5 =	spop (v2sf);
	v9 =	vmovc v12  }
0x1e2: {  	s24 =	simm.s32 @p0 $0x1;
	v12 =	vadd.s32 v15, v16;
	vm2 =	vlt.s32 v17, v6;
	v16 =	vadd.s32 v11, v18;
	s23 =	smov.u32 @p2 s4;
	s4 =	sxor.u32 $0x7FFFFFFF, s5;
	v11 =	vmovc v13  }
0x1e3: {  	v14 =	vsub.s32 v8, v14;
	(xrf0) =	vadd.scan.msk.s32 $0xffff, v12;
	v13 =	vmpcnt.ones.xlane vm2;
	vm2 =	vge.s32 v16, v6;
	v15, _, _ =	vpop (xrf0);
	s30 =	sadd.s32 $0x1, s4;
	s4 =	smov.u32 s0;
	s0 =	smov.u32 s2  }
0x1e4: {  	s3 =	sadd.s32 $0x10, s3;
	v14 =	vxor.u32 $0x80000000, v14;
	vm1 =	vmand vm1, vm2;
	(v2sf) =	vpush v15, $0xF;
	p0 =	slt.s32 s26, s30;
	s5 =	spop (v2sf)  }
0x1e5: {  	_ =	sdelay $0x7  }
0x1e6: {  	s16 =	spop (v2sf)  }
0x1e7: {  	s11 =	spop (v2sf)  }
0x1e8: {  	s1 =	sadd.s32 s28, s16;
	s8 =	spop (v2sf)  }
0x1e9: {  	v14 =	vnsel vm1, $0x1, v14;
	s12 =	sadd.s32 s22, s1;
	s3 =	spop (v2sf)  }
0x1ea: {  	v16 =	vmov s4;
	vm1 =	vgt.s32 v9, $0x0;
	v15 =	vsub.s32 s12, v9;
	s31 =	sadd.s32 s1, s3  }
0x1eb: {  	v61 =	vmov s0;
	v9 =	vsub.s32 v8, v16;
	v15 =	vadd.s32 v11, v15;
	s4 =	sadd.s32 s22, s31  }
0x1ec: {  	v8 =	vsub.s32 v8, v61;
	v59, _, _ =	vpop (xrf0);
	vm2 =	vge.s32 v15, v6;
	v60 =	vsub.s32 s4, v12  }
0x1ed: {  	v9 =	vxor.u32 $0x80000000, v9;
	(xrf0) =	vmax.scan.msk.u32 $0xffff, v14;
	vm1 =	vmand vm1, vm2;
	v62 =	vadd.s32 v59, v60  }
0x1ee: {  	vm2 =	vgt.s32 v12, $0x0;
	v9 =	vnsel vm1, $0x1, v9;
	vm1 =	vge.s32 v62, v6  }
0x1ef: {  	v8 =	vxor.u32 $0x80000000, v8;
	vm1 =	vmand vm2, vm1  }
0x1f0: {  	(xrf0) =	vmax.scan.msk.u32 $0xffff, v9;
	v8 =	vnsel vm1, $0x1, v8;
	_ =	sdelay $0x1  }
0x1f1: {  	(v2sf) =	vpush v10, $0x0;
	v9 =	vadd.s32 s12, v11;
	(xrf0) =	vmax.scan.msk.u32 $0xffff, v8  }
0x1f2: {  	(v2sf) =	vpush v59, $0xF;
	vm1 =	vlt.s32 v9, v6;
	v8, _, _ =	vpop (xrf0)  }
0x1f3: {  	(v2sf) =	vpush v8, $0xF;
	v8 =	vmpcnt.ones.xlane vm1;
	_ =	sdelay $0x1  }
0x1f4: {  	v9 =	vadd.s32 s4, v59;
	v10, _, _ =	vpop (xrf0);
	(v2sf) =	vpush v13, $0x0  }
0x1f5: {  	vm1 =	vlt.s32 v9, v6;
	(v2sf) =	vpush v10, $0xF  }
0x1f6: {  	v6 =	vmpcnt.ones.xlane vm1;
	(v2sf) =	vpush v8, $0x0;
	v8, _, _ =	vpop (xrf0)  }
0x1f7: {  	(v2sf) =	vpush v8, $0xF  }
0x1f8: {  	(v2sf) =	vpush v6, $0x0;
	_ =	sdelay $0x6  }
0x1f9: {  	s2 =	spop (v2sf)  }
0x1fa: {  	s17 =	spop (v2sf)  }
0x1fb: {  	s14 =	spop (v2sf)  }
0x1fc: {  	s9 =	spop (v2sf)  }
0x1fd: {  	s5 =	sadd.s32 s25, s5;
	s15 =	spop (v2sf)  }
0x1fe: {  	s5 =	sadd.s32 s5, s8;
	s8 =	spop (v2sf)  }
0x1ff: {  	s0 =	sadd.s32 s5, s17;
	s17 =	spop (v2sf)  }
0x200: {  	s0 =	sadd.s32 s0, s15;
	s5 =	spop (v2sf)  }
0x201: {  	s0 =	sadd.s32 s0, s17;
	s19 =	spop (v2sf)  }
0x202: {  	s25 =	sadd.s32 s0, s19  }
0x203: {  	s0 =	sand.u32 $0xFFFFFFF0, s25  }
0x204: {  	v6 =	vsub.s32 $0x80000000, v7;
	v7 =	vld [tilespmem:s0+$0x18000]  }
0x205: {  	(xrf0) =	vmax.scan.msk.u32 $0xffff, v6;
	v6 =	vld [tilespmem:s0+$0x18800];
	_ =	sdelay $0x2  }
0x206: {  	s21 =	sand.u32 $0xF, s25  }
0x207: {  	v8 =	vmov s21  }
0x208: {  	(v2sf) =	vpush v5, $0x1;
	vm1 =	vgt.u32 v8, v2;
	v5 =	vadd.s32 v7, v6  }
0x209: {  	(v2sf) =	vpush v4, $0x0;
	v4, _, _ =	vpop (xrf0);
	v6 =	vnsel vm1, $0x0, v5;
	vm1 =	veq.s32 v8, v2  }
0x20a: {  	(v2sf) =	vpush v4, $0xF;
	(xrf0) =	vadd.scan.msk.s32 $0xffff, v6;
	v4 =	vnsel vm1, $0x0, v5  }
0x20b: {  	(xrf0) =	vadd.scan.msk.s32 $0xffff, v4;
	_ =	sdelay $0x4  }
0x20c: {  	v4, _, _ =	vpop (xrf0)  }
0x20d: {  	(v2sf) =	vpush v4, $0xF;
	v4, _, _ =	vpop (xrf0)  }
0x20e: {  	(v2sf) =	vpush v4, $0xF;
	_ =	sdelay $0x4  }
0x20f: {  	s0 =	spop (v2sf)  }
0x210: {  	s17 =	spop (v2sf)  }
0x211: {  	s7 =	spop (v2sf)  }
0x212: {  	s15 =	sxor.u32 $0x7FFFFFFF, s7  }
0x213: {  	s15 =	sadd.s32 $0x1, s15  }
0x214: {  	v4 =	vmov s15  }
0x215: {  	v4 =	vnsel vm0, $0x7FFFFFFF, v4  }
0x216: {  	s21 =	simm.s32 $0x19100;
	[tilespmem:$0x19100] =	vst v4  }
0x217: {  	[spmem:s6] =	stream.linear.scatter [tilespmem:s21], [sflag:$0x1], $0x10, $0x38;
	[tilespmem:$0x19980] =	vst v63  }
0x218: {  	s19 =	spop (v2sf)  }
0x219: {  	s7 =	smov.u32 s6;
	s6 =	spop (v2sf)  }
0x21a: {  	_ =	swait.ge [sflag:s10], $0x10  }
0x21b: {  	[sflag:s10] =	ssyncset.done $0x0  }
0x21c: {  	[sflag:s10] =	ssyncadd.s32 $0xFFFFFFF0  }
0x21d: {  	[bflag:$0x0] =	sbarrier.arrive $0xFFFF  }
0x21e: {  	[tilespmem:s21], [sflag:$0x1] =	stream.linear.gather [spmem:s18], $0x10, $0x38;
	[tilespmem:$0x19980] =	vst v63  }
0x21f: {  	_ =	swait.ge [sflag:s10], $0x10  }
0x220: {  	[sflag:s10] =	ssyncset.done $0x0  }
0x221: {  	[sflag:s10] =	ssyncadd.s32 $0xFFFFFFF0  }
0x222: {  	[bflag:$0x0] =	sbarrier.arrive $0xFFFF  }
0x223: {  	v4 =	vld [tilespmem:$0x19100];
	_ =	sdelay $0x2  }
0x224: {  	s16 =	sadd.s32 s29, s16  }
0x225: {  	p2 =	sge.s32 s16, s20;
	s16 =	smov.u32 s23  }
0x226: {  	s30 =	smov.u32 @p0 s26;
	p0 =	seq.s32 s24, $0x0;
	s16 =	smov.u32 @p2 s28;
	(v2sf) =	vpush v4, $0x0  }
0x227: {  	s11 =	sxor.u32 $0x7FFFFFFF, s11;
	s23 =	smov.u32 @p0 s16;
	s3 =	sadd.s32 s12, s3  }
0x228: {  	p1 =	sge.s32 s3, s20;
	s14 =	sadd.s32 s4, s14;
	s4 =	sadd.s32 $0x1, s11  }
0x229: {  	s3 =	smov.u32 s23;
	s2 =	sxor.u32 $0x7FFFFFFF, s2;
	p3 =	slt.s32 s30, s4  }
0x22a: {  	s3 =	smov.u32 @p1 s1;
	s1 =	sadd.s32 $0x1, s2;
	s4 =	smov.u32 @p3 s30  }
0x22b: {  	s24 =	simm.s32 @p2 $0x1;
	p0 =	sge.s32 s14, s20;
	p2 =	slt.s32 s4, s1  }
0x22c: {  	s1 =	smov.u32 @p2 s4;
	p2 =	seq.s32 s24, $0x0;
	s16 =	sxor.u32 $0x7FFFFFFF, s9  }
0x22d: {  	s24 =	simm.s32 @p1 $0x1;
	s23 =	smov.u32 @p2 s3;
	s2 =	sadd.s32 $0x1, s16  }
0x22e: {  	p1 =	seq.s32 s24, $0x0;
	p2 =	slt.s32 s1, s2;
	s20 =	sxor.u32 $0x7FFFFFFF, s8  }
0x22f: {  	s3 =	smov.u32 s23;
	s2 =	smov.u32 @p2 s1;
	s1 =	sadd.s32 $0x1, s20  }
0x230: {  	s3 =	smov.u32 @p0 s31;
	p2 =	slt.s32 s2, s1;
	s21 =	sxor.u32 $0x7FFFFFFF, s5  }
0x231: {  	s23 =	smov.u32 @p1 s3;
	s1 =	smov.u32 @p2 s2;
	s2 =	sadd.s32 $0x1, s21  }
0x232: {  	s23 =	sadd.s32 s22, s23;
	p0 =	slt.s32 s1, s2  }
0x233: {  	s2 =	smov.u32 @p0 s1;
	s1 =	sadd.s32 s19, s23  }
0x234: {  	s1 =	sadd.s32 s6, s1;
	s24 =	rddreg [dreg:$0xb]  }
0x235: {  	s26 =	rddreg [dreg:$0xa];
	s4 =	sshll.u32 s24, $0xA;
	s3 =	spop (v2sf)  }
0x236: {  	s6 =	sadd.s32 $0x2, s26;
	s25 =	sor.u32 s4, s25;
	p0 =	slt.s32 s15, s3  }
0x237: {  	s4 =	sor.u32 s4, s2;
	s3 =	smov.u32 @p0 s15;
	p0 =	seq.s32 s2, $0x7FFFFFFF  }
0x238: {  	p1 =	slt.s32 s1, s6;
	s1 =	smov.u32 s25;
	s4 =	smov.u32 @p0 s3  }
0x239: {  	s28 =	sshra.s32 s25, $0x1F;
	s1 =	smov.u32 @p1 s4  }
0x23a: {  	s30 =	ssub.f32 $1.000000000e+00, s17;
	s2 =	sand.u32 $0x7FFFFFFF, s28;
	s29 =	sshra.s32 s1, $0x1F  }
0x23b: {  	s2 =	sxor.u32 s25, s2;
	s3 =	sand.u32 $0x7FFFFFFF, s29  }
0x23c: {  	s2 =	smul.f32 s2, s30;
	s1 =	sxor.u32 s1, s3  }
0x23d: {  	s1 =	smul.f32 s1, s17;
	_ =	sdelay $0x1  }
0x23e: {  	s2 =	sadd.f32 s1, s2  }
0x23f: {  	s1 =	simm.s32 $0x40  }
0x240: {  	v6 =	vld [tilespmem:s1+$0x30];
	s31 =	sshra.s32 s2, $0x1F  }
0x241: {  	v9 =	vld [tilespmem:s1+$0xFFFFFFD0];
	s3 =	sand.u32 $0x7FFFFFFF, s31  }
0x242: {  	p0 =	seq.s32 s0, $0x0;
	v11 =	vld [tilespmem:s1+$0xFFFFFFE0];
	s2 =	sxor.u32 s2, s3  }
0x243: {  	v8 =	vld [tilespmem:s1+$0xFFFFFFF0];
	s2 =	simm.s32 @!p0 $0x7FFFFFFF  }
0x244: {  	v7 =	vld [tilespmem:s1+$0x0];
	v4 =	vmov s2  }
0x245: {  	v5 =	vld [tilespmem:s1+$0x10];
	vm1 =	vlt.s32 v6, v4  }
0x246: {  	vm2 =	vlt.s32 v9, v4;
	v6 =	vld [tilespmem:s1+$0x20];
	v63 =	vsel vm1, $0x0, v3  }
0x247: {  	s0 =	simm.s32 $0x0;
	s2 =	simm.s32 $0xC0;
	v9 =	vld [tilespmem:s1+$0xFFFFFFC0];
	v10 =	vsel vm2, $0x0, v3;
	vm1 =	vlt.s32 v11, v4;
	[tilespmem:s1+$0x30] =	vst v63  }
.LBB2_20:
0x248: {  	v11 =	vld [tilespmem:s2+$0x30];
	s0 =	sadd.s32 $0x8, s0;
	[tilespmem:s1+$0xFFFFFFD0] =	vst v10;
	v10 =	vsel vm1, $0x0, v3;
	vm1 =	vlt.s32 v8, v4  }
0x249: {  	v12 =	vld [tilespmem:s2+$0xFFFFFFD0];
	p0 =	slt.u32 s0, $0x17F8;
	[tilespmem:s1+$0xFFFFFFE0] =	vst v10;
	v8 =	vsel vm1, $0x0, v3;
	vm1 =	vlt.s32 v7, v4  }
0x24a: {  	v13 =	vld [tilespmem:s2+$0xFFFFFFE0];
	[tilespmem:s1+$0xFFFFFFF0] =	vst v8;
	v7 =	vsel vm1, $0x0, v3;
	vm1 =	vlt.s32 v5, v4  }
.Ltmp9:
0x24b: {  	v8 =	vld [tilespmem:s2+$0xFFFFFFF0];
	[tilespmem:s1+$0x0] =	vst v7;
	v5 =	vsel vm1, $0x0, v3;
	vm1 =	vlt.s32 v6, v4;
	(pc) =	sbr.rel @p0 .LBB2_20-.Ltmp9, $4  }
0x24c: {  	v7 =	vld [tilespmem:s2+$0x0];
	vm2 =	vlt.s32 v9, v4;
	[tilespmem:s1+$0x10] =	vst v5;
	v6 =	vsel vm1, $0x0, v3  }
0x24d: {  	v5 =	vld [tilespmem:s2+$0x10];
	vm1 =	vlt.s32 v11, v4;
	v9 =	vsel vm2, $0x0, v3;
	[tilespmem:s1+$0x20] =	vst v6  }
0x24e: {  	vm2 =	vlt.s32 v12, v4;
	v6 =	vld [tilespmem:s2+$0x20];
	v11 =	vsel vm1, $0x0, v3;
	[tilespmem:s1+$0xFFFFFFC0] =	vst v9;
	s1 =	smov.u32 s2  }
0x24f: {  	s2 =	sadd.s32 $0x80, s2;
	v9 =	vld [tilespmem:s1+$0xFFFFFFC0];
	v10 =	vsel vm2, $0x0, v3;
	vm1 =	vlt.s32 v13, v4;
	[tilespmem:s1+$0x30] =	vst v11  }
0x250: {  	[tilespmem:s1+$0xFFFFFFD0] =	vst v10;
	v63 =	vsel vm1, $0x0, v3;
	vm1 =	vlt.s32 v8, v4  }
0x251: {  	[tilespmem:s1+$0xFFFFFFE0] =	vst v63;
	v8 =	vsel vm1, $0x0, v3;
	vm1 =	vlt.s32 v7, v4  }
0x252: {  	[tilespmem:s1+$0xFFFFFFF0] =	vst v8;
	v7 =	vsel vm1, $0x0, v3;
	vm1 =	vlt.s32 v5, v4  }
0x253: {  	[tilespmem:s1+$0x0] =	vst v7;
	v5 =	vsel vm1, $0x0, v3;
	vm1 =	vlt.s32 v6, v4  }
0x254: {  	vm2 =	vlt.s32 v9, v4;
	[tilespmem:s1+$0x10] =	vst v5;
	v4 =	vsel vm1, $0x0, v3  }
0x255: {  	v5 =	vsel vm2, $0x0, v3;
	[tilespmem:s1+$0x20] =	vst v4  }
0x256: {  	[tilespmem:s1+$0xFFFFFFC0] =	vst v5  }
0x257: {  	s8 =	simm.s32 $0x0;
	s0 =	rddreg [dreg:$0x7]  }
0x258: {  	[hbm4b:s0+s8] =	stream.linear.scatter [tilespmem:s8], [sflag:$0x1], $0x18000, $0x38;
	[tilespmem:$0x19980] =	vst v63  }
0x259: {  	_ =	swait.ge [sflag:s10], $0x18000  }
0x25a: {  	s28 =	rddreg [dreg:$0x9]  }
0x25b: {  	s29 =	rddreg [dreg:$0x8];
	s1 =	sadd.s32 $0x1, s28  }
0x25c: {  	p0 =	sne.s32 s1, s29  }
.Ltmp10:
0x25d: {  	_ = 	snop;
	(pc) =	sbr.rel @p0 .LBB2_1-.Ltmp10, $4  }
0x25e: {  	_ = 	snop  }
0x25f: {  	s6 =	smov.u32 s7  }
0x260: {  	s7 =	smov.u32 s18;
	s30 =	simm.s32 $0x80;
	[sflag:s10] =	ssyncset.done $0x0  }
0x261: {  	s31 =	simm.s32 $0x400;
	s12 =	simm.s32 $0x18800;
	[sflag:s10] =	ssyncadd.s32 $0xFFFE8000  }
0x262: {  	_ =	sfence.sel $0x180000  }
0x263: {  	[bflag:$0x0] =	sbarrier.arrive $0xFFFF  }
0x264: {  	_ =	strace $0x90000047  }
0x265: {  	s0 =	stileid.u32;
	[bflag:$0x2] =	sbarrier.arrive $0xFFFF  }
0x266: {  	p0 =	sne.s32 s0, $0x0;
	s0 =	rddreg [dreg:$0x3]  }
0x267: {  	s0 =	sadd.s32 @!p0 $0x100000, s0  }
0x268: {  	[sflag:s0] =	ssyncadd.tile.s32 @!p0 $0x1;
	_ =	shalt  }
.Lfunc_end2:
_tile_overlayer_lowered:
.L_overlay_start_2:
0x269: {  	(tag) =	ssettag $0x2  }
0x26a: {  	s0 =	rddreg [dreg:$0x0];
	s2 =	stileid.u32  }
0x26b: {  	s1 =	rddreg [dreg:$0x1];
	p0 =	sne.s32 s2, $0x0  }
0x26c: {  	s3 =	rddreg [dreg:$0x2];
	[bflag:$0x3] =	sbarrier.arrive $0xFFFF;
	s2 =	simm.s32 @!p0 $0x1C01  }
0x26d: {  	[timem:s3], [sflag:s2] =	dma.local @!p0 [hbm:s0], s1  }
0x26e: {  	s0 =	simm.s32 @!p0 $0x1  }
0x26f: {  	_ =	swait.ge @!p0 [sflag:s0], s1  }
0x270: {  	s1 =	ssub.s32 @!p0 $0x0, s1;
	[sflag:s0] =	ssyncset.done @!p0 $0x0  }
0x271: {  	[sflag:s0] =	ssyncadd.s32 @!p0 s1  }
0x272: {  	[bflag:$0x3] =	sbarrier.arrive $0xFFFF  }
0x273: {  	_ =	shalt  }

</sc_bundles>
